<compile_context>
chip_gen: v7x
topology: tpu7x:2x2x1
jax: 0.10.2.dev20260603
libtpu: 0.0.44.dev20260713+nightly
codegen_flags: <defaults>
</compile_context>

<pallas_src>
import functools
import jax
import jax.numpy as jnp
from jax import lax
from jax.experimental import pallas as pl
from jax.experimental.pallas import tpu as pltpu
from jax.experimental.pallas import tpu_sc as plsc

N_NODES = 10000
E_EDGES = 320000
DIM = 128

NUM_CORES = 2
NUM_SUBCORES = 16
NUM_WORKERS = NUM_CORES * NUM_SUBCORES
EDGES_PER_W = E_EDGES // NUM_WORKERS
CHUNK = 80
NCHUNK = EDGES_PER_W // CHUNK
STAGE = 10112
N_PAD = 10240
ROWS_PER_SUB = N_PAD // NUM_SUBCORES


def _sc_aggregate(x, edge_index):
    mesh = plsc.VectorSubcoreMesh(core_axis_name="c", subcore_axis_name="s")

    @functools.partial(
        pl.kernel,
        mesh=mesh,
        out_type=jax.ShapeDtypeStruct((NUM_CORES, N_PAD, DIM), jnp.float32),
        scratch_types=[
            pltpu.VMEM((STAGE,), jnp.int32),
            pltpu.VMEM((STAGE,), jnp.int32),
            pltpu.VMEM((CHUNK, DIM), jnp.float32),
            pltpu.VMEM((CHUNK, DIM), jnp.float32),
            pltpu.VMEM_SHARED((N_PAD, DIM), jnp.float32),
            pltpu.SemaphoreType.DMA,
            pltpu.SemaphoreType.DMA,
        ],
    )
    def sc_kernel(x_hbm, ei_hbm, out_hbm,
                  src_v, dst_v, rows0, rows1, aggr_sh, sem0, sem1):
        c = lax.axis_index("c")
        s = lax.axis_index("s")
        wid = c * NUM_SUBCORES + s

        off = pl.multiple_of((wid % 8) * 16, 16)
        lo = pl.multiple_of(wid * EDGES_PER_W - off, 128)
        idx_cp0 = pltpu.async_copy(
            ei_hbm.at[0, pl.ds(lo, STAGE)], src_v, sem0)
        idx_cp1 = pltpu.async_copy(
            ei_hbm.at[1, pl.ds(lo, STAGE)], dst_v, sem1)

        zeros16 = jnp.zeros((16,), jnp.float32)

        def zbody(i, carry):
            rows0[i // 8, pl.ds((i % 8) * 16, 16)] = zeros16
            return carry

        lax.fori_loop(0, CHUNK * 8, zbody, 0, unroll=8)

        base = s * ROWS_PER_SUB
        for r in range(ROWS_PER_SUB // CHUNK):
            pltpu.sync_copy(rows0,
                            aggr_sh.at[pl.ds(base + r * CHUNK, CHUNK)])
        idx_cp0.wait()
        idx_cp1.wait()
        plsc.subcore_barrier()

        def gref(j):
            return x_hbm.at[src_v.at[pl.ds(off + j * CHUNK, CHUNK)]]

        def dref(j):
            return aggr_sh.at[dst_v.at[pl.ds(off + j * CHUNK, CHUNK)]]

        pltpu.async_copy(gref(0), rows0, sem0)

        def body(i, carry):
            j = 2 * i
            pltpu.async_copy(gref(j + 1), rows1, sem1)
            pltpu.make_async_copy(gref(j), rows0, sem0).wait()
            pltpu.sync_copy(rows0, dref(j), add=True)
            pltpu.async_copy(gref(j + 2), rows0, sem0)
            pltpu.make_async_copy(gref(j + 1), rows1, sem1).wait()
            pltpu.sync_copy(rows1, dref(j + 1), add=True)
            return carry

        lax.fori_loop(0, (NCHUNK - 1) // 2, body, 0)

        pltpu.make_async_copy(gref(NCHUNK - 1), rows0, sem0).wait()
        pltpu.sync_copy(rows0, dref(NCHUNK - 1), add=True)
        plsc.subcore_barrier()

        pltpu.sync_copy(
            aggr_sh.at[pl.ds(base, ROWS_PER_SUB)],
            out_hbm.at[c, pl.ds(base, ROWS_PER_SUB)],
        )

    return sc_kernel(x, edge_index)


def _tc_tail(partials, x, W_l, b_l, W_r):

    def tc_kernel(p_ref, x_ref, wl_ref, wr_ref, bl_ref, o_ref):
        aggr = p_ref[0, :N_NODES, :] + p_ref[1, :N_NODES, :]
        h = lax.dot_general(
            aggr, wl_ref[...], (((1,), (1,)), ((), ())),
            preferred_element_type=jnp.float32,
        )
        h = h + lax.dot_general(
            x_ref[...], wr_ref[...], (((1,), (1,)), ((), ())),
            preferred_element_type=jnp.float32,
        )
        o_ref[...] = jnp.maximum(h + bl_ref[...], 0.0)

    return pl.pallas_call(
        tc_kernel,
        out_shape=jax.ShapeDtypeStruct((N_NODES, DIM), jnp.float32),
    )(partials, x, W_l, W_r, b_l.reshape(1, DIM))


@jax.jit
def kernel(x, edge_index, W_l, b_l, W_r):
    partials = _sc_aggregate(x, edge_index)
    return _tc_tail(partials, x, W_l, b_l, W_r)

# --- scband reference (transcript-rebuilt; emitter-appended) ---
"""Pipeline reference for scband-graph-sageblock-53815940219286 (READ-ONLY COPY).

The authoritative reference and input builder live on the scoring server;
editing this copy changes nothing except your own understanding.
"""

import jax, jax.numpy as jnp
import numpy as np

N = 10000
E = 320000
IN_DIM = 128
OUT_DIM = 128

def setup_inputs(seed: int = 0) -> dict:
    key = jax.random.key(seed)
    k1, k2, k3, k4, k5 = jax.random.split(key, 5)
    x = jax.random.normal(k1, (N, IN_DIM), dtype=jnp.float32)
    edge_index = jax.random.randint(k2, (2, E), 0, N, dtype=jnp.int32)
    # SAGEConv params: lin_l applied to aggregated neighbors (with bias), lin_r applied to root (no bias)
    scale = 1.0 / np.sqrt(IN_DIM)
    W_l = jax.random.uniform(k3, (OUT_DIM, IN_DIM), dtype=jnp.float32, minval=-scale, maxval=scale)
    b_l = jax.random.uniform(k4, (OUT_DIM,), dtype=jnp.float32, minval=-scale, maxval=scale)
    W_r = jax.random.uniform(k5, (OUT_DIM, IN_DIM), dtype=jnp.float32, minval=-scale, maxval=scale)
    return {"x": x, "edge_index": edge_index, "W_l": W_l, "b_l": b_l, "W_r": W_r}

def reference(x, edge_index, W_l, b_l, W_r):
    # SAGEConv(aggr='sum'): out_i = W_l @ (sum_{j in N(i)} x_j) + b_l + W_r @ x_i
    src = edge_index[0]
    dst = edge_index[1]
    msgs = jnp.take(x, src, axis=0)                      # gather source node features
    aggr = jax.ops.segment_sum(msgs, dst, num_segments=N)  # scatter-add to destination nodes
    out = aggr @ W_l.T + b_l + x @ W_r.T
    out = jax.nn.relu(out)
    # Dropout is identity in eval mode (reference is deterministic)
    return out

if __name__ == "__main__":
    import jax
    _d = setup_inputs()
    print(jax.jit(kernel)(*tuple(_d.values())))

</pallas_src>

<mosaic_0001>
#map = affine_map<(d0, d1) -> (0, 0)>
#map1 = affine_map<(d0, d1) -> (0, 0, 0)>
module attributes {stable_mosaic.version = 14 : i64} {
  func.func @sc_kernel(%arg0: i32, %arg1: i32, %arg2: memref<10000x128xf32, #tpu.memory_space<hbm>>, %arg3: memref<2x320000xi32, #tpu.memory_space<hbm>>, %arg4: memref<2x10240x128xf32, #tpu.memory_space<hbm>>, %arg5: memref<10112xi32, #tpu.memory_space<vmem>>, %arg6: memref<10112xi32, #tpu.memory_space<vmem>>, %arg7: memref<80x128xf32, #tpu.memory_space<vmem>>, %arg8: memref<80x128xf32, #tpu.memory_space<vmem>>, %arg9: memref<10240x128xf32, #tpu.memory_space<vmem_shared>>, %arg10: memref<!tpu.dma_semaphore, #tpu.memory_space<semaphore_mem>>, %arg11: memref<!tpu.dma_semaphore, #tpu.memory_space<semaphore_mem>>) attributes {dimension_semantics = [#tpu.dimension_semantics<core_parallel>, #tpu.dimension_semantics<subcore_parallel>], iteration_bounds = array<i64: 2, 16>, scalar_prefetch = 0 : i64, scratch_operands = 7 : i64, tpu.core_type = #tpu.core_type<sc_vector_subcore>, window_params = [{transform_indices = #map}, {transform_indices = #map}, {transform_indices = #map1}]} {
    %mul3A = arith.constant 16 : i32
    %mul3A_0 = arith.muli %arg0, %mul3A : i32
    %add3A = arith.addi %mul3A_0, %arg1 : i32
    %jit3A = arith.constant 8 : i32
    %eq3A = arith.constant 0 : i32
    %eq3A_1 = arith.cmpi eq, %jit3A, %eq3A : i32
    %jit3A_2 = arith.constant 1 : i32
    %select_n3A = arith.select %eq3A_1, %jit3A_2, %jit3A : i32
    %rem3A = arith.remsi %add3A, %select_n3A : i32
    %ne3A = arith.constant 0 : i32
    %ne3A_3 = arith.cmpi ne, %rem3A, %ne3A : i32
    %lt3A = arith.constant 0 : i32
    %lt3A_4 = arith.cmpi slt, %rem3A, %lt3A : i32
    %lt3A_5 = arith.constant 0 : i32
    %lt3A_6 = arith.cmpi slt, %select_n3A, %lt3A_5 : i32
    %ne3A_7 = arith.xori %lt3A_4, %lt3A_6 : i1
    %and3A = arith.andi %ne3A_7, %ne3A_3 : i1
    %add3A_8 = arith.addi %rem3A, %select_n3A : i32
    %select_n3A_9 = arith.select %and3A, %add3A_8, %rem3A : i32
    %mul3A_10 = arith.constant 16 : i32
    %mul3A_11 = arith.muli %select_n3A_9, %mul3A_10 : i32
    %multiple_of3A = tpu.assume_multiple %mul3A_11, 16 : i32
    %mul3A_12 = arith.constant 10000 : i32
    %mul3A_13 = arith.muli %add3A, %mul3A_12 : i32
    %sub3A = arith.subi %mul3A_13, %multiple_of3A : i32
    %multiple_of3A_14 = tpu.assume_multiple %sub3A, 128 : i32
    %dma_start3A = arith.constant 0 : i32
    %dma_start3A_15 = tpu.memref_slice %arg3[%dma_start3A, %multiple_of3A_14] : memref<2x320000xi32, #tpu.memory_space<hbm>> -> memref<1x10112xi32, #tpu.memory_space<hbm>>
    %dma_start3A_16 = tpu.memref_squeeze %dma_start3A_15 : memref<1x10112xi32, #tpu.memory_space<hbm>> -> memref<10112xi32, #tpu.memory_space<hbm>>
    %dma_start3A_17 = tpu.memref_slice %arg3[%dma_start3A, %multiple_of3A_14] : memref<2x320000xi32, #tpu.memory_space<hbm>> -> memref<1x10112xi32, #tpu.memory_space<hbm>>
    %dma_start3A_18 = tpu.memref_squeeze %dma_start3A_17 : memref<1x10112xi32, #tpu.memory_space<hbm>> -> memref<10112xi32, #tpu.memory_space<hbm>>
    tpu.enqueue_dma source(%dma_start3A_18 : memref<10112xi32, #tpu.memory_space<hbm>>) target(%arg5 : memref<10112xi32, #tpu.memory_space<vmem>>) target_semaphore(%arg10 : memref<!tpu.dma_semaphore, #tpu.memory_space<semaphore_mem>>)
    %dma_start3A_19 = arith.constant 1 : i32
    %dma_start3A_20 = tpu.memref_slice %arg3[%dma_start3A_19, %multiple_of3A_14] : memref<2x320000xi32, #tpu.memory_space<hbm>> -> memref<1x10112xi32, #tpu.memory_space<hbm>>
    %dma_start3A_21 = tpu.memref_squeeze %dma_start3A_20 : memref<1x10112xi32, #tpu.memory_space<hbm>> -> memref<10112xi32, #tpu.memory_space<hbm>>
    %dma_start3A_22 = tpu.memref_slice %arg3[%dma_start3A_19, %multiple_of3A_14] : memref<2x320000xi32, #tpu.memory_space<hbm>> -> memref<1x10112xi32, #tpu.memory_space<hbm>>
    %dma_start3A_23 = tpu.memref_squeeze %dma_start3A_22 : memref<1x10112xi32, #tpu.memory_space<hbm>> -> memref<10112xi32, #tpu.memory_space<hbm>>
    tpu.enqueue_dma source(%dma_start3A_23 : memref<10112xi32, #tpu.memory_space<hbm>>) target(%arg6 : memref<10112xi32, #tpu.memory_space<vmem>>) target_semaphore(%arg11 : memref<!tpu.dma_semaphore, #tpu.memory_space<semaphore_mem>>)
    %broadcast_in_dim3A = arith.constant 0.000000e+00 : f32
    %broadcast_in_dim3A_24 = vector.broadcast %broadcast_in_dim3A : f32 to vector<16xf32>
    %scan3A = arith.constant 0 : i32
    %scan3A_25 = arith.constant 0 : i32
    %scan3A_26 = arith.constant 640 : i32
    %scan3A_27 = arith.addi %scan3A_25, %scan3A_26 : i32
    %scan3A_28 = arith.constant 8 : i32
    scf.for %scan3A_78 = %scan3A_25 to %scan3A_27 step %scan3A_28  : i32 {
      %jit3A_79 = arith.constant 8 : i32
      %div3A = arith.divsi %scan3A_78, %jit3A_79 : i32
      %sign3A = arith.constant 0 : i32
      %sign3A_80 = arith.cmpi sgt, %scan3A_78, %sign3A : i32
      %sign3A_81 = arith.extui %sign3A_80 : i1 to i32
      %sign3A_82 = arith.constant 0 : i32
      %sign3A_83 = arith.cmpi slt, %scan3A_78, %sign3A_82 : i32
      %sign3A_84 = arith.extui %sign3A_83 : i1 to i32
      %sign3A_85 = arith.subi %sign3A_81, %sign3A_84 : i32
      %sign3A_86 = arith.constant 0 : i32
      %sign3A_87 = arith.cmpi sgt, %jit3A_79, %sign3A_86 : i32
      %sign3A_88 = arith.extui %sign3A_87 : i1 to i32
      %sign3A_89 = arith.constant 0 : i32
      %sign3A_90 = arith.cmpi slt, %jit3A_79, %sign3A_89 : i32
      %sign3A_91 = arith.extui %sign3A_90 : i1 to i32
      %sign3A_92 = arith.subi %sign3A_88, %sign3A_91 : i32
      %ne3A_93 = arith.cmpi ne, %sign3A_85, %sign3A_92 : i32
      %rem3A_94 = arith.remsi %scan3A_78, %jit3A_79 : i32
      %ne3A_95 = arith.constant 0 : i32
      %ne3A_96 = arith.cmpi ne, %rem3A_94, %ne3A_95 : i32
      %and3A_97 = arith.andi %ne3A_93, %ne3A_96 : i1
      %sub3A_98 = arith.constant 1 : i32
      %sub3A_99 = arith.subi %div3A, %sub3A_98 : i32
      %select_n3A_100 = arith.select %and3A_97, %sub3A_99, %div3A : i32
      %jit3A_101 = arith.constant 8 : i32
      %eq3A_102 = arith.constant 0 : i32
      %eq3A_103 = arith.cmpi eq, %jit3A_101, %eq3A_102 : i32
      %jit3A_104 = arith.constant 1 : i32
      %select_n3A_105 = arith.select %eq3A_103, %jit3A_104, %jit3A_101 : i32
      %rem3A_106 = arith.remsi %scan3A_78, %select_n3A_105 : i32
      %ne3A_107 = arith.constant 0 : i32
      %ne3A_108 = arith.cmpi ne, %rem3A_106, %ne3A_107 : i32
      %lt3A_109 = arith.constant 0 : i32
      %lt3A_110 = arith.cmpi slt, %rem3A_106, %lt3A_109 : i32
      %lt3A_111 = arith.constant 0 : i32
      %lt3A_112 = arith.cmpi slt, %select_n3A_105, %lt3A_111 : i32
      %ne3A_113 = arith.xori %lt3A_110, %lt3A_112 : i1
      %and3A_114 = arith.andi %ne3A_113, %ne3A_108 : i1
      %add3A_115 = arith.addi %rem3A_106, %select_n3A_105 : i32
      %select_n3A_116 = arith.select %and3A_114, %add3A_115, %rem3A_106 : i32
      %mul3A_117 = arith.constant 16 : i32
      %mul3A_118 = arith.muli %select_n3A_116, %mul3A_117 : i32
      %swap3A = arith.index_cast %select_n3A_100 : i32 to index
      %swap3A_119 = arith.index_cast %mul3A_118 : i32 to index
      %swap3A_120 = tpu.vector_load %arg7[%swap3A, %swap3A_119] {strides = array<i32>} : memref<80x128xf32, #tpu.memory_space<vmem>>, vector<1x16xf32>,
      %swap3A_121 = vector.shape_cast %swap3A_120 : vector<1x16xf32> to vector<16xf32>
      %swap3A_122 = vector.shape_cast %broadcast_in_dim3A_24 : vector<16xf32> to vector<1x16xf32>
      tpu.vector_store %arg7[%swap3A, %swap3A_119], %swap3A_122 {strides = array<i32>} : memref<80x128xf32, #tpu.memory_space<vmem>>, vector<1x16xf32>,
      %scan3A_123 = arith.constant 1 : i32
      %scan3A_124 = arith.addi %scan3A_78, %scan3A_123 : i32
      %jit3A_125 = arith.constant 8 : i32
      %div3A_126 = arith.divsi %scan3A_124, %jit3A_125 : i32
      %sign3A_127 = arith.constant 0 : i32
      %sign3A_128 = arith.cmpi sgt, %scan3A_124, %sign3A_127 : i32
      %sign3A_129 = arith.extui %sign3A_128 : i1 to i32
      %sign3A_130 = arith.constant 0 : i32
      %sign3A_131 = arith.cmpi slt, %scan3A_124, %sign3A_130 : i32
      %sign3A_132 = arith.extui %sign3A_131 : i1 to i32
      %sign3A_133 = arith.subi %sign3A_129, %sign3A_132 : i32
      %sign3A_134 = arith.constant 0 : i32
      %sign3A_135 = arith.cmpi sgt, %jit3A_125, %sign3A_134 : i32
      %sign3A_136 = arith.extui %sign3A_135 : i1 to i32
      %sign3A_137 = arith.constant 0 : i32
      %sign3A_138 = arith.cmpi slt, %jit3A_125, %sign3A_137 : i32
      %sign3A_139 = arith.extui %sign3A_138 : i1 to i32
      %sign3A_140 = arith.subi %sign3A_136, %sign3A_139 : i32
      %ne3A_141 = arith.cmpi ne, %sign3A_133, %sign3A_140 : i32
      %rem3A_142 = arith.remsi %scan3A_124, %jit3A_125 : i32
      %ne3A_143 = arith.constant 0 : i32
      %ne3A_144 = arith.cmpi ne, %rem3A_142, %ne3A_143 : i32
      %and3A_145 = arith.andi %ne3A_141, %ne3A_144 : i1
      %sub3A_146 = arith.constant 1 : i32
      %sub3A_147 = arith.subi %div3A_126, %sub3A_146 : i32
      %select_n3A_148 = arith.select %and3A_145, %sub3A_147, %div3A_126 : i32
      %jit3A_149 = arith.constant 8 : i32
      %eq3A_150 = arith.constant 0 : i32
      %eq3A_151 = arith.cmpi eq, %jit3A_149, %eq3A_150 : i32
      %jit3A_152 = arith.constant 1 : i32
      %select_n3A_153 = arith.select %eq3A_151, %jit3A_152, %jit3A_149 : i32
      %rem3A_154 = arith.remsi %scan3A_124, %select_n3A_153 : i32
      %ne3A_155 = arith.constant 0 : i32
      %ne3A_156 = arith.cmpi ne, %rem3A_154, %ne3A_155 : i32
      %lt3A_157 = arith.constant 0 : i32
      %lt3A_158 = arith.cmpi slt, %rem3A_154, %lt3A_157 : i32
      %lt3A_159 = arith.constant 0 : i32
      %lt3A_160 = arith.cmpi slt, %select_n3A_153, %lt3A_159 : i32
      %ne3A_161 = arith.xori %lt3A_158, %lt3A_160 : i1
      %and3A_162 = arith.andi %ne3A_161, %ne3A_156 : i1
      %add3A_163 = arith.addi %rem3A_154, %select_n3A_153 : i32
      %select_n3A_164 = arith.select %and3A_162, %add3A_163, %rem3A_154 : i32
      %mul3A_165 = arith.constant 16 : i32
      %mul3A_166 = arith.muli %select_n3A_164, %mul3A_165 : i32
      %swap3A_167 = arith.index_cast %select_n3A_148 : i32 to index
      %swap3A_168 = arith.index_cast %mul3A_166 : i32 to index
      %swap3A_169 = tpu.vector_load %arg7[%swap3A_167, %swap3A_168] {strides = array<i32>} : memref<80x128xf32, #tpu.memory_space<vmem>>, vector<1x16xf32>,
      %swap3A_170 = vector.shape_cast %swap3A_169 : vector<1x16xf32> to vector<16xf32>
      %swap3A_171 = vector.shape_cast %broadcast_in_dim3A_24 : vector<16xf32> to vector<1x16xf32>
      tpu.vector_store %arg7[%swap3A_167, %swap3A_168], %swap3A_171 {strides = array<i32>} : memref<80x128xf32, #tpu.memory_space<vmem>>, vector<1x16xf32>,
      %scan3A_172 = arith.constant 2 : i32
      %scan3A_173 = arith.addi %scan3A_78, %scan3A_172 : i32
      %jit3A_174 = arith.constant 8 : i32
      %div3A_175 = arith.divsi %scan3A_173, %jit3A_174 : i32
      %sign3A_176 = arith.constant 0 : i32
      %sign3A_177 = arith.cmpi sgt, %scan3A_173, %sign3A_176 : i32
      %sign3A_178 = arith.extui %sign3A_177 : i1 to i32
      %sign3A_179 = arith.constant 0 : i32
      %sign3A_180 = arith.cmpi slt, %scan3A_173, %sign3A_179 : i32
      %sign3A_181 = arith.extui %sign3A_180 : i1 to i32
      %sign3A_182 = arith.subi %sign3A_178, %sign3A_181 : i32
      %sign3A_183 = arith.constant 0 : i32
      %sign3A_184 = arith.cmpi sgt, %jit3A_174, %sign3A_183 : i32
      %sign3A_185 = arith.extui %sign3A_184 : i1 to i32
      %sign3A_186 = arith.constant 0 : i32
      %sign3A_187 = arith.cmpi slt, %jit3A_174, %sign3A_186 : i32
      %sign3A_188 = arith.extui %sign3A_187 : i1 to i32
      %sign3A_189 = arith.subi %sign3A_185, %sign3A_188 : i32
      %ne3A_190 = arith.cmpi ne, %sign3A_182, %sign3A_189 : i32
      %rem3A_191 = arith.remsi %scan3A_173, %jit3A_174 : i32
      %ne3A_192 = arith.constant 0 : i32
      %ne3A_193 = arith.cmpi ne, %rem3A_191, %ne3A_192 : i32
      %and3A_194 = arith.andi %ne3A_190, %ne3A_193 : i1
      %sub3A_195 = arith.constant 1 : i32
      %sub3A_196 = arith.subi %div3A_175, %sub3A_195 : i32
      %select_n3A_197 = arith.select %and3A_194, %sub3A_196, %div3A_175 : i32
      %jit3A_198 = arith.constant 8 : i32
      %eq3A_199 = arith.constant 0 : i32
      %eq3A_200 = arith.cmpi eq, %jit3A_198, %eq3A_199 : i32
      %jit3A_201 = arith.constant 1 : i32
      %select_n3A_202 = arith.select %eq3A_200, %jit3A_201, %jit3A_198 : i32
      %rem3A_203 = arith.remsi %scan3A_173, %select_n3A_202 : i32
      %ne3A_204 = arith.constant 0 : i32
      %ne3A_205 = arith.cmpi ne, %rem3A_203, %ne3A_204 : i32
      %lt3A_206 = arith.constant 0 : i32
      %lt3A_207 = arith.cmpi slt, %rem3A_203, %lt3A_206 : i32
      %lt3A_208 = arith.constant 0 : i32
      %lt3A_209 = arith.cmpi slt, %select_n3A_202, %lt3A_208 : i32
      %ne3A_210 = arith.xori %lt3A_207, %lt3A_209 : i1
      %and3A_211 = arith.andi %ne3A_210, %ne3A_205 : i1
      %add3A_212 = arith.addi %rem3A_203, %select_n3A_202 : i32
      %select_n3A_213 = arith.select %and3A_211, %add3A_212, %rem3A_203 : i32
      %mul3A_214 = arith.constant 16 : i32
      %mul3A_215 = arith.muli %select_n3A_213, %mul3A_214 : i32
      %swap3A_216 = arith.index_cast %select_n3A_197 : i32 to index
      %swap3A_217 = arith.index_cast %mul3A_215 : i32 to index
      %swap3A_218 = tpu.vector_load %arg7[%swap3A_216, %swap3A_217] {strides = array<i32>} : memref<80x128xf32, #tpu.memory_space<vmem>>, vector<1x16xf32>,
      %swap3A_219 = vector.shape_cast %swap3A_218 : vector<1x16xf32> to vector<16xf32>
      %swap3A_220 = vector.shape_cast %broadcast_in_dim3A_24 : vector<16xf32> to vector<1x16xf32>
      tpu.vector_store %arg7[%swap3A_216, %swap3A_217], %swap3A_220 {strides = array<i32>} : memref<80x128xf32, #tpu.memory_space<vmem>>, vector<1x16xf32>,
      %scan3A_221 = arith.constant 3 : i32
      %scan3A_222 = arith.addi %scan3A_78, %scan3A_221 : i32
      %jit3A_223 = arith.constant 8 : i32
      %div3A_224 = arith.divsi %scan3A_222, %jit3A_223 : i32
      %sign3A_225 = arith.constant 0 : i32
      %sign3A_226 = arith.cmpi sgt, %scan3A_222, %sign3A_225 : i32
      %sign3A_227 = arith.extui %sign3A_226 : i1 to i32
      %sign3A_228 = arith.constant 0 : i32
      %sign3A_229 = arith.cmpi slt, %scan3A_222, %sign3A_228 : i32
      %sign3A_230 = arith.extui %sign3A_229 : i1 to i32
      %sign3A_231 = arith.subi %sign3A_227, %sign3A_230 : i32
      %sign3A_232 = arith.constant 0 : i32
      %sign3A_233 = arith.cmpi sgt, %jit3A_223, %sign3A_232 : i32
      %sign3A_234 = arith.extui %sign3A_233 : i1 to i32
      %sign3A_235 = arith.constant 0 : i32
      %sign3A_236 = arith.cmpi slt, %jit3A_223, %sign3A_235 : i32
      %sign3A_237 = arith.extui %sign3A_236 : i1 to i32
      %sign3A_238 = arith.subi %sign3A_234, %sign3A_237 : i32
      %ne3A_239 = arith.cmpi ne, %sign3A_231, %sign3A_238 : i32
      %rem3A_240 = arith.remsi %scan3A_222, %jit3A_223 : i32
      %ne3A_241 = arith.constant 0 : i32
      %ne3A_242 = arith.cmpi ne, %rem3A_240, %ne3A_241 : i32
      %and3A_243 = arith.andi %ne3A_239, %ne3A_242 : i1
      %sub3A_244 = arith.constant 1 : i32
      %sub3A_245 = arith.subi %div3A_224, %sub3A_244 : i32
      %select_n3A_246 = arith.select %and3A_243, %sub3A_245, %div3A_224 : i32
      %jit3A_247 = arith.constant 8 : i32
      %eq3A_248 = arith.constant 0 : i32
      %eq3A_249 = arith.cmpi eq, %jit3A_247, %eq3A_248 : i32
      %jit3A_250 = arith.constant 1 : i32
      %select_n3A_251 = arith.select %eq3A_249, %jit3A_250, %jit3A_247 : i32
      %rem3A_252 = arith.remsi %scan3A_222, %select_n3A_251 : i32
      %ne3A_253 = arith.constant 0 : i32
      %ne3A_254 = arith.cmpi ne, %rem3A_252, %ne3A_253 : i32
      %lt3A_255 = arith.constant 0 : i32
      %lt3A_256 = arith.cmpi slt, %rem3A_252, %lt3A_255 : i32
      %lt3A_257 = arith.constant 0 : i32
      %lt3A_258 = arith.cmpi slt, %select_n3A_251, %lt3A_257 : i32
      %ne3A_259 = arith.xori %lt3A_256, %lt3A_258 : i1
      %and3A_260 = arith.andi %ne3A_259, %ne3A_254 : i1
      %add3A_261 = arith.addi %rem3A_252, %select_n3A_251 : i32
      %select_n3A_262 = arith.select %and3A_260, %add3A_261, %rem3A_252 : i32
      %mul3A_263 = arith.constant 16 : i32
      %mul3A_264 = arith.muli %select_n3A_262, %mul3A_263 : i32
      %swap3A_265 = arith.index_cast %select_n3A_246 : i32 to index
      %swap3A_266 = arith.index_cast %mul3A_264 : i32 to index
      %swap3A_267 = tpu.vector_load %arg7[%swap3A_265, %swap3A_266] {strides = array<i32>} : memref<80x128xf32, #tpu.memory_space<vmem>>, vector<1x16xf32>,
      %swap3A_268 = vector.shape_cast %swap3A_267 : vector<1x16xf32> to vector<16xf32>
      %swap3A_269 = vector.shape_cast %broadcast_in_dim3A_24 : vector<16xf32> to vector<1x16xf32>
      tpu.vector_store %arg7[%swap3A_265, %swap3A_266], %swap3A_269 {strides = array<i32>} : memref<80x128xf32, #tpu.memory_space<vmem>>, vector<1x16xf32>,
      %scan3A_270 = arith.constant 4 : i32
      %scan3A_271 = arith.addi %scan3A_78, %scan3A_270 : i32
      %jit3A_272 = arith.constant 8 : i32
      %div3A_273 = arith.divsi %scan3A_271, %jit3A_272 : i32
      %sign3A_274 = arith.constant 0 : i32
      %sign3A_275 = arith.cmpi sgt, %scan3A_271, %sign3A_274 : i32
      %sign3A_276 = arith.extui %sign3A_275 : i1 to i32
      %sign3A_277 = arith.constant 0 : i32
      %sign3A_278 = arith.cmpi slt, %scan3A_271, %sign3A_277 : i32
      %sign3A_279 = arith.extui %sign3A_278 : i1 to i32
      %sign3A_280 = arith.subi %sign3A_276, %sign3A_279 : i32
      %sign3A_281 = arith.constant 0 : i32
      %sign3A_282 = arith.cmpi sgt, %jit3A_272, %sign3A_281 : i32
      %sign3A_283 = arith.extui %sign3A_282 : i1 to i32
      %sign3A_284 = arith.constant 0 : i32
      %sign3A_285 = arith.cmpi slt, %jit3A_272, %sign3A_284 : i32
      %sign3A_286 = arith.extui %sign3A_285 : i1 to i32
      %sign3A_287 = arith.subi %sign3A_283, %sign3A_286 : i32
      %ne3A_288 = arith.cmpi ne, %sign3A_280, %sign3A_287 : i32
      %rem3A_289 = arith.remsi %scan3A_271, %jit3A_272 : i32
      %ne3A_290 = arith.constant 0 : i32
      %ne3A_291 = arith.cmpi ne, %rem3A_289, %ne3A_290 : i32
      %and3A_292 = arith.andi %ne3A_288, %ne3A_291 : i1
      %sub3A_293 = arith.constant 1 : i32
      %sub3A_294 = arith.subi %div3A_273, %sub3A_293 : i32
      %select_n3A_295 = arith.select %and3A_292, %sub3A_294, %div3A_273 : i32
      %jit3A_296 = arith.constant 8 : i32
      %eq3A_297 = arith.constant 0 : i32
      %eq3A_298 = arith.cmpi eq, %jit3A_296, %eq3A_297 : i32
      %jit3A_299 = arith.constant 1 : i32
      %select_n3A_300 = arith.select %eq3A_298, %jit3A_299, %jit3A_296 : i32
      %rem3A_301 = arith.remsi %scan3A_271, %select_n3A_300 : i32
      %ne3A_302 = arith.constant 0 : i32
      %ne3A_303 = arith.cmpi ne, %rem3A_301, %ne3A_302 : i32
      %lt3A_304 = arith.constant 0 : i32
      %lt3A_305 = arith.cmpi slt, %rem3A_301, %lt3A_304 : i32
      %lt3A_306 = arith.constant 0 : i32
      %lt3A_307 = arith.cmpi slt, %select_n3A_300, %lt3A_306 : i32
      %ne3A_308 = arith.xori %lt3A_305, %lt3A_307 : i1
      %and3A_309 = arith.andi %ne3A_308, %ne3A_303 : i1
      %add3A_310 = arith.addi %rem3A_301, %select_n3A_300 : i32
      %select_n3A_311 = arith.select %and3A_309, %add3A_310, %rem3A_301 : i32
      %mul3A_312 = arith.constant 16 : i32
      %mul3A_313 = arith.muli %select_n3A_311, %mul3A_312 : i32
      %swap3A_314 = arith.index_cast %select_n3A_295 : i32 to index
      %swap3A_315 = arith.index_cast %mul3A_313 : i32 to index
      %swap3A_316 = tpu.vector_load %arg7[%swap3A_314, %swap3A_315] {strides = array<i32>} : memref<80x128xf32, #tpu.memory_space<vmem>>, vector<1x16xf32>,
      %swap3A_317 = vector.shape_cast %swap3A_316 : vector<1x16xf32> to vector<16xf32>
      %swap3A_318 = vector.shape_cast %broadcast_in_dim3A_24 : vector<16xf32> to vector<1x16xf32>
      tpu.vector_store %arg7[%swap3A_314, %swap3A_315], %swap3A_318 {strides = array<i32>} : memref<80x128xf32, #tpu.memory_space<vmem>>, vector<1x16xf32>,
      %scan3A_319 = arith.constant 5 : i32
      %scan3A_320 = arith.addi %scan3A_78, %scan3A_319 : i32
      %jit3A_321 = arith.constant 8 : i32
      %div3A_322 = arith.divsi %scan3A_320, %jit3A_321 : i32
      %sign3A_323 = arith.constant 0 : i32
      %sign3A_324 = arith.cmpi sgt, %scan3A_320, %sign3A_323 : i32
      %sign3A_325 = arith.extui %sign3A_324 : i1 to i32
      %sign3A_326 = arith.constant 0 : i32
      %sign3A_327 = arith.cmpi slt, %scan3A_320, %sign3A_326 : i32
      %sign3A_328 = arith.extui %sign3A_327 : i1 to i32
      %sign3A_329 = arith.subi %sign3A_325, %sign3A_328 : i32
      %sign3A_330 = arith.constant 0 : i32
      %sign3A_331 = arith.cmpi sgt, %jit3A_321, %sign3A_330 : i32
      %sign3A_332 = arith.extui %sign3A_331 : i1 to i32
      %sign3A_333 = arith.constant 0 : i32
      %sign3A_334 = arith.cmpi slt, %jit3A_321, %sign3A_333 : i32
      %sign3A_335 = arith.extui %sign3A_334 : i1 to i32
      %sign3A_336 = arith.subi %sign3A_332, %sign3A_335 : i32
      %ne3A_337 = arith.cmpi ne, %sign3A_329, %sign3A_336 : i32
      %rem3A_338 = arith.remsi %scan3A_320, %jit3A_321 : i32
      %ne3A_339 = arith.constant 0 : i32
      %ne3A_340 = arith.cmpi ne, %rem3A_338, %ne3A_339 : i32
      %and3A_341 = arith.andi %ne3A_337, %ne3A_340 : i1
      %sub3A_342 = arith.constant 1 : i32
      %sub3A_343 = arith.subi %div3A_322, %sub3A_342 : i32
      %select_n3A_344 = arith.select %and3A_341, %sub3A_343, %div3A_322 : i32
      %jit3A_345 = arith.constant 8 : i32
      %eq3A_346 = arith.constant 0 : i32
      %eq3A_347 = arith.cmpi eq, %jit3A_345, %eq3A_346 : i32
      %jit3A_348 = arith.constant 1 : i32
      %select_n3A_349 = arith.select %eq3A_347, %jit3A_348, %jit3A_345 : i32
      %rem3A_350 = arith.remsi %scan3A_320, %select_n3A_349 : i32
      %ne3A_351 = arith.constant 0 : i32
      %ne3A_352 = arith.cmpi ne, %rem3A_350, %ne3A_351 : i32
      %lt3A_353 = arith.constant 0 : i32
      %lt3A_354 = arith.cmpi slt, %rem3A_350, %lt3A_353 : i32
      %lt3A_355 = arith.constant 0 : i32
      %lt3A_356 = arith.cmpi slt, %select_n3A_349, %lt3A_355 : i32
      %ne3A_357 = arith.xori %lt3A_354, %lt3A_356 : i1
      %and3A_358 = arith.andi %ne3A_357, %ne3A_352 : i1
      %add3A_359 = arith.addi %rem3A_350, %select_n3A_349 : i32
      %select_n3A_360 = arith.select %and3A_358, %add3A_359, %rem3A_350 : i32
      %mul3A_361 = arith.constant 16 : i32
      %mul3A_362 = arith.muli %select_n3A_360, %mul3A_361 : i32
      %swap3A_363 = arith.index_cast %select_n3A_344 : i32 to index
      %swap3A_364 = arith.index_cast %mul3A_362 : i32 to index
      %swap3A_365 = tpu.vector_load %arg7[%swap3A_363, %swap3A_364] {strides = array<i32>} : memref<80x128xf32, #tpu.memory_space<vmem>>, vector<1x16xf32>,
      %swap3A_366 = vector.shape_cast %swap3A_365 : vector<1x16xf32> to vector<16xf32>
      %swap3A_367 = vector.shape_cast %broadcast_in_dim3A_24 : vector<16xf32> to vector<1x16xf32>
      tpu.vector_store %arg7[%swap3A_363, %swap3A_364], %swap3A_367 {strides = array<i32>} : memref<80x128xf32, #tpu.memory_space<vmem>>, vector<1x16xf32>,
      %scan3A_368 = arith.constant 6 : i32
      %scan3A_369 = arith.addi %scan3A_78, %scan3A_368 : i32
      %jit3A_370 = arith.constant 8 : i32
      %div3A_371 = arith.divsi %scan3A_369, %jit3A_370 : i32
      %sign3A_372 = arith.constant 0 : i32
      %sign3A_373 = arith.cmpi sgt, %scan3A_369, %sign3A_372 : i32
      %sign3A_374 = arith.extui %sign3A_373 : i1 to i32
      %sign3A_375 = arith.constant 0 : i32
      %sign3A_376 = arith.cmpi slt, %scan3A_369, %sign3A_375 : i32
      %sign3A_377 = arith.extui %sign3A_376 : i1 to i32
      %sign3A_378 = arith.subi %sign3A_374, %sign3A_377 : i32
      %sign3A_379 = arith.constant 0 : i32
      %sign3A_380 = arith.cmpi sgt, %jit3A_370, %sign3A_379 : i32
      %sign3A_381 = arith.extui %sign3A_380 : i1 to i32
      %sign3A_382 = arith.constant 0 : i32
      %sign3A_383 = arith.cmpi slt, %jit3A_370, %sign3A_382 : i32
      %sign3A_384 = arith.extui %sign3A_383 : i1 to i32
      %sign3A_385 = arith.subi %sign3A_381, %sign3A_384 : i32
      %ne3A_386 = arith.cmpi ne, %sign3A_378, %sign3A_385 : i32
      %rem3A_387 = arith.remsi %scan3A_369, %jit3A_370 : i32
      %ne3A_388 = arith.constant 0 : i32
      %ne3A_389 = arith.cmpi ne, %rem3A_387, %ne3A_388 : i32
      %and3A_390 = arith.andi %ne3A_386, %ne3A_389 : i1
      %sub3A_391 = arith.constant 1 : i32
      %sub3A_392 = arith.subi %div3A_371, %sub3A_391 : i32
      %select_n3A_393 = arith.select %and3A_390, %sub3A_392, %div3A_371 : i32
      %jit3A_394 = arith.constant 8 : i32
      %eq3A_395 = arith.constant 0 : i32
      %eq3A_396 = arith.cmpi eq, %jit3A_394, %eq3A_395 : i32
      %jit3A_397 = arith.constant 1 : i32
      %select_n3A_398 = arith.select %eq3A_396, %jit3A_397, %jit3A_394 : i32
      %rem3A_399 = arith.remsi %scan3A_369, %select_n3A_398 : i32
      %ne3A_400 = arith.constant 0 : i32
      %ne3A_401 = arith.cmpi ne, %rem3A_399, %ne3A_400 : i32
      %lt3A_402 = arith.constant 0 : i32
      %lt3A_403 = arith.cmpi slt, %rem3A_399, %lt3A_402 : i32
      %lt3A_404 = arith.constant 0 : i32
      %lt3A_405 = arith.cmpi slt, %select_n3A_398, %lt3A_404 : i32
      %ne3A_406 = arith.xori %lt3A_403, %lt3A_405 : i1
      %and3A_407 = arith.andi %ne3A_406, %ne3A_401 : i1
      %add3A_408 = arith.addi %rem3A_399, %select_n3A_398 : i32
      %select_n3A_409 = arith.select %and3A_407, %add3A_408, %rem3A_399 : i32
      %mul3A_410 = arith.constant 16 : i32
      %mul3A_411 = arith.muli %select_n3A_409, %mul3A_410 : i32
      %swap3A_412 = arith.index_cast %select_n3A_393 : i32 to index
      %swap3A_413 = arith.index_cast %mul3A_411 : i32 to index
      %swap3A_414 = tpu.vector_load %arg7[%swap3A_412, %swap3A_413] {strides = array<i32>} : memref<80x128xf32, #tpu.memory_space<vmem>>, vector<1x16xf32>,
      %swap3A_415 = vector.shape_cast %swap3A_414 : vector<1x16xf32> to vector<16xf32>
      %swap3A_416 = vector.shape_cast %broadcast_in_dim3A_24 : vector<16xf32> to vector<1x16xf32>
      tpu.vector_store %arg7[%swap3A_412, %swap3A_413], %swap3A_416 {strides = array<i32>} : memref<80x128xf32, #tpu.memory_space<vmem>>, vector<1x16xf32>,
      %scan3A_417 = arith.constant 7 : i32
      %scan3A_418 = arith.addi %scan3A_78, %scan3A_417 : i32
      %jit3A_419 = arith.constant 8 : i32
      %div3A_420 = arith.divsi %scan3A_418, %jit3A_419 : i32
      %sign3A_421 = arith.constant 0 : i32
      %sign3A_422 = arith.cmpi sgt, %scan3A_418, %sign3A_421 : i32
      %sign3A_423 = arith.extui %sign3A_422 : i1 to i32
      %sign3A_424 = arith.constant 0 : i32
      %sign3A_425 = arith.cmpi slt, %scan3A_418, %sign3A_424 : i32
      %sign3A_426 = arith.extui %sign3A_425 : i1 to i32
      %sign3A_427 = arith.subi %sign3A_423, %sign3A_426 : i32
      %sign3A_428 = arith.constant 0 : i32
      %sign3A_429 = arith.cmpi sgt, %jit3A_419, %sign3A_428 : i32
      %sign3A_430 = arith.extui %sign3A_429 : i1 to i32
      %sign3A_431 = arith.constant 0 : i32
      %sign3A_432 = arith.cmpi slt, %jit3A_419, %sign3A_431 : i32
      %sign3A_433 = arith.extui %sign3A_432 : i1 to i32
      %sign3A_434 = arith.subi %sign3A_430, %sign3A_433 : i32
      %ne3A_435 = arith.cmpi ne, %sign3A_427, %sign3A_434 : i32
      %rem3A_436 = arith.remsi %scan3A_418, %jit3A_419 : i32
      %ne3A_437 = arith.constant 0 : i32
      %ne3A_438 = arith.cmpi ne, %rem3A_436, %ne3A_437 : i32
      %and3A_439 = arith.andi %ne3A_435, %ne3A_438 : i1
      %sub3A_440 = arith.constant 1 : i32
      %sub3A_441 = arith.subi %div3A_420, %sub3A_440 : i32
      %select_n3A_442 = arith.select %and3A_439, %sub3A_441, %div3A_420 : i32
      %jit3A_443 = arith.constant 8 : i32
      %eq3A_444 = arith.constant 0 : i32
      %eq3A_445 = arith.cmpi eq, %jit3A_443, %eq3A_444 : i32
      %jit3A_446 = arith.constant 1 : i32
      %select_n3A_447 = arith.select %eq3A_445, %jit3A_446, %jit3A_443 : i32
      %rem3A_448 = arith.remsi %scan3A_418, %select_n3A_447 : i32
      %ne3A_449 = arith.constant 0 : i32
      %ne3A_450 = arith.cmpi ne, %rem3A_448, %ne3A_449 : i32
      %lt3A_451 = arith.constant 0 : i32
      %lt3A_452 = arith.cmpi slt, %rem3A_448, %lt3A_451 : i32
      %lt3A_453 = arith.constant 0 : i32
      %lt3A_454 = arith.cmpi slt, %select_n3A_447, %lt3A_453 : i32
      %ne3A_455 = arith.xori %lt3A_452, %lt3A_454 : i1
      %and3A_456 = arith.andi %ne3A_455, %ne3A_450 : i1
      %add3A_457 = arith.addi %rem3A_448, %select_n3A_447 : i32
      %select_n3A_458 = arith.select %and3A_456, %add3A_457, %rem3A_448 : i32
      %mul3A_459 = arith.constant 16 : i32
      %mul3A_460 = arith.muli %select_n3A_458, %mul3A_459 : i32
      %swap3A_461 = arith.index_cast %select_n3A_442 : i32 to index
      %swap3A_462 = arith.index_cast %mul3A_460 : i32 to index
      %swap3A_463 = tpu.vector_load %arg7[%swap3A_461, %swap3A_462] {strides = array<i32>} : memref<80x128xf32, #tpu.memory_space<vmem>>, vector<1x16xf32>,
      %swap3A_464 = vector.shape_cast %swap3A_463 : vector<1x16xf32> to vector<16xf32>
      %swap3A_465 = vector.shape_cast %broadcast_in_dim3A_24 : vector<16xf32> to vector<1x16xf32>
      tpu.vector_store %arg7[%swap3A_461, %swap3A_462], %swap3A_465 {strides = array<i32>} : memref<80x128xf32, #tpu.memory_space<vmem>>, vector<1x16xf32>,
    }
    %scan3A_29 = arith.constant 640 : i32
    %mul3A_30 = arith.constant 640 : i32
    %mul3A_31 = arith.muli %arg1, %mul3A_30 : i32
    %add3A_32 = arith.constant 0 : i32
    %add3A_33 = arith.addi %mul3A_31, %add3A_32 : i32
    "tpu.region"() ({
      %run_scoped3A = tpu.sem_alloc : memref<!tpu.dma_semaphore, #tpu.memory_space<semaphore_mem>>
      %dma_start3A_78 = arith.constant 0 : i32
      %dma_start3A_79 = tpu.memref_slice %arg9[%add3A_33, %dma_start3A_78] : memref<10240x128xf32, #tpu.memory_space<vmem_shared>> -> memref<80x128xf32, #tpu.memory_space<vmem_shared>>
      %dma_start3A_80 = arith.constant 0 : i32
      %dma_start3A_81 = tpu.memref_slice %arg9[%add3A_33, %dma_start3A_80] : memref<10240x128xf32, #tpu.memory_space<vmem_shared>> -> memref<80x128xf32, #tpu.memory_space<vmem_shared>>
      tpu.enqueue_dma source(%arg7 : memref<80x128xf32, #tpu.memory_space<vmem>>) target(%dma_start3A_81 : memref<80x128xf32, #tpu.memory_space<vmem_shared>>) target_semaphore(%run_scoped3A : memref<!tpu.dma_semaphore, #tpu.memory_space<semaphore_mem>>)
      %dma_wait3A_82 = arith.constant 0 : i32
      %dma_wait3A_83 = tpu.memref_slice %arg9[%add3A_33, %dma_wait3A_82] : memref<10240x128xf32, #tpu.memory_space<vmem_shared>> -> memref<80x128xf32, #tpu.memory_space<vmem_shared>>
      %dma_wait3A_84 = arith.constant 0 : i32
      %dma_wait3A_85 = tpu.memref_slice %arg9[%add3A_33, %dma_wait3A_84] : memref<10240x128xf32, #tpu.memory_space<vmem_shared>> -> memref<80x128xf32, #tpu.memory_space<vmem_shared>>
      tpu.wait_dma2 semaphore(%run_scoped3A : memref<!tpu.dma_semaphore, #tpu.memory_space<semaphore_mem>>) src(%arg7 : memref<80x128xf32, #tpu.memory_space<vmem>>) dst(%dma_wait3A_85 : memref<80x128xf32, #tpu.memory_space<vmem_shared>>)
      tpu.yield
    }) : () -> ()
    %add3A_34 = arith.constant 80 : i32
    %add3A_35 = arith.addi %mul3A_31, %add3A_34 : i32
    "tpu.region"() ({
      %run_scoped3A = tpu.sem_alloc : memref<!tpu.dma_semaphore, #tpu.memory_space<semaphore_mem>>
      %dma_start3A_78 = arith.constant 0 : i32
      %dma_start3A_79 = tpu.memref_slice %arg9[%add3A_35, %dma_start3A_78] : memref<10240x128xf32, #tpu.memory_space<vmem_shared>> -> memref<80x128xf32, #tpu.memory_space<vmem_shared>>
      %dma_start3A_80 = arith.constant 0 : i32
      %dma_start3A_81 = tpu.memref_slice %arg9[%add3A_35, %dma_start3A_80] : memref<10240x128xf32, #tpu.memory_space<vmem_shared>> -> memref<80x128xf32, #tpu.memory_space<vmem_shared>>
      tpu.enqueue_dma source(%arg7 : memref<80x128xf32, #tpu.memory_space<vmem>>) target(%dma_start3A_81 : memref<80x128xf32, #tpu.memory_space<vmem_shared>>) target_semaphore(%run_scoped3A : memref<!tpu.dma_semaphore, #tpu.memory_space<semaphore_mem>>)
      %dma_wait3A_82 = arith.constant 0 : i32
      %dma_wait3A_83 = tpu.memref_slice %arg9[%add3A_35, %dma_wait3A_82] : memref<10240x128xf32, #tpu.memory_space<vmem_shared>> -> memref<80x128xf32, #tpu.memory_space<vmem_shared>>
      %dma_wait3A_84 = arith.constant 0 : i32
      %dma_wait3A_85 = tpu.memref_slice %arg9[%add3A_35, %dma_wait3A_84] : memref<10240x128xf32, #tpu.memory_space<vmem_shared>> -> memref<80x128xf32, #tpu.memory_space<vmem_shared>>
      tpu.wait_dma2 semaphore(%run_scoped3A : memref<!tpu.dma_semaphore, #tpu.memory_space<semaphore_mem>>) src(%arg7 : memref<80x128xf32, #tpu.memory_space<vmem>>) dst(%dma_wait3A_85 : memref<80x128xf32, #tpu.memory_space<vmem_shared>>)
      tpu.yield
    }) : () -> ()
    %add3A_36 = arith.constant 160 : i32
    %add3A_37 = arith.addi %mul3A_31, %add3A_36 : i32
    "tpu.region"() ({
      %run_scoped3A = tpu.sem_alloc : memref<!tpu.dma_semaphore, #tpu.memory_space<semaphore_mem>>
      %dma_start3A_78 = arith.constant 0 : i32
      %dma_start3A_79 = tpu.memref_slice %arg9[%add3A_37, %dma_start3A_78] : memref<10240x128xf32, #tpu.memory_space<vmem_shared>> -> memref<80x128xf32, #tpu.memory_space<vmem_shared>>
      %dma_start3A_80 = arith.constant 0 : i32
      %dma_start3A_81 = tpu.memref_slice %arg9[%add3A_37, %dma_start3A_80] : memref<10240x128xf32, #tpu.memory_space<vmem_shared>> -> memref<80x128xf32, #tpu.memory_space<vmem_shared>>
      tpu.enqueue_dma source(%arg7 : memref<80x128xf32, #tpu.memory_space<vmem>>) target(%dma_start3A_81 : memref<80x128xf32, #tpu.memory_space<vmem_shared>>) target_semaphore(%run_scoped3A : memref<!tpu.dma_semaphore, #tpu.memory_space<semaphore_mem>>)
      %dma_wait3A_82 = arith.constant 0 : i32
      %dma_wait3A_83 = tpu.memref_slice %arg9[%add3A_37, %dma_wait3A_82] : memref<10240x128xf32, #tpu.memory_space<vmem_shared>> -> memref<80x128xf32, #tpu.memory_space<vmem_shared>>
      %dma_wait3A_84 = arith.constant 0 : i32
      %dma_wait3A_85 = tpu.memref_slice %arg9[%add3A_37, %dma_wait3A_84] : memref<10240x128xf32, #tpu.memory_space<vmem_shared>> -> memref<80x128xf32, #tpu.memory_space<vmem_shared>>
      tpu.wait_dma2 semaphore(%run_scoped3A : memref<!tpu.dma_semaphore, #tpu.memory_space<semaphore_mem>>) src(%arg7 : memref<80x128xf32, #tpu.memory_space<vmem>>) dst(%dma_wait3A_85 : memref<80x128xf32, #tpu.memory_space<vmem_shared>>)
      tpu.yield
    }) : () -> ()
    %add3A_38 = arith.constant 240 : i32
    %add3A_39 = arith.addi %mul3A_31, %add3A_38 : i32
    "tpu.region"() ({
      %run_scoped3A = tpu.sem_alloc : memref<!tpu.dma_semaphore, #tpu.memory_space<semaphore_mem>>
      %dma_start3A_78 = arith.constant 0 : i32
      %dma_start3A_79 = tpu.memref_slice %arg9[%add3A_39, %dma_start3A_78] : memref<10240x128xf32, #tpu.memory_space<vmem_shared>> -> memref<80x128xf32, #tpu.memory_space<vmem_shared>>
      %dma_start3A_80 = arith.constant 0 : i32
      %dma_start3A_81 = tpu.memref_slice %arg9[%add3A_39, %dma_start3A_80] : memref<10240x128xf32, #tpu.memory_space<vmem_shared>> -> memref<80x128xf32, #tpu.memory_space<vmem_shared>>
      tpu.enqueue_dma source(%arg7 : memref<80x128xf32, #tpu.memory_space<vmem>>) target(%dma_start3A_81 : memref<80x128xf32, #tpu.memory_space<vmem_shared>>) target_semaphore(%run_scoped3A : memref<!tpu.dma_semaphore, #tpu.memory_space<semaphore_mem>>)
      %dma_wait3A_82 = arith.constant 0 : i32
      %dma_wait3A_83 = tpu.memref_slice %arg9[%add3A_39, %dma_wait3A_82] : memref<10240x128xf32, #tpu.memory_space<vmem_shared>> -> memref<80x128xf32, #tpu.memory_space<vmem_shared>>
      %dma_wait3A_84 = arith.constant 0 : i32
      %dma_wait3A_85 = tpu.memref_slice %arg9[%add3A_39, %dma_wait3A_84] : memref<10240x128xf32, #tpu.memory_space<vmem_shared>> -> memref<80x128xf32, #tpu.memory_space<vmem_shared>>
      tpu.wait_dma2 semaphore(%run_scoped3A : memref<!tpu.dma_semaphore, #tpu.memory_space<semaphore_mem>>) src(%arg7 : memref<80x128xf32, #tpu.memory_space<vmem>>) dst(%dma_wait3A_85 : memref<80x128xf32, #tpu.memory_space<vmem_shared>>)
      tpu.yield
    }) : () -> ()
    %add3A_40 = arith.constant 320 : i32
    %add3A_41 = arith.addi %mul3A_31, %add3A_40 : i32
    "tpu.region"() ({
      %run_scoped3A = tpu.sem_alloc : memref<!tpu.dma_semaphore, #tpu.memory_space<semaphore_mem>>
      %dma_start3A_78 = arith.constant 0 : i32
      %dma_start3A_79 = tpu.memref_slice %arg9[%add3A_41, %dma_start3A_78] : memref<10240x128xf32, #tpu.memory_space<vmem_shared>> -> memref<80x128xf32, #tpu.memory_space<vmem_shared>>
      %dma_start3A_80 = arith.constant 0 : i32
      %dma_start3A_81 = tpu.memref_slice %arg9[%add3A_41, %dma_start3A_80] : memref<10240x128xf32, #tpu.memory_space<vmem_shared>> -> memref<80x128xf32, #tpu.memory_space<vmem_shared>>
      tpu.enqueue_dma source(%arg7 : memref<80x128xf32, #tpu.memory_space<vmem>>) target(%dma_start3A_81 : memref<80x128xf32, #tpu.memory_space<vmem_shared>>) target_semaphore(%run_scoped3A : memref<!tpu.dma_semaphore, #tpu.memory_space<semaphore_mem>>)
      %dma_wait3A_82 = arith.constant 0 : i32
      %dma_wait3A_83 = tpu.memref_slice %arg9[%add3A_41, %dma_wait3A_82] : memref<10240x128xf32, #tpu.memory_space<vmem_shared>> -> memref<80x128xf32, #tpu.memory_space<vmem_shared>>
      %dma_wait3A_84 = arith.constant 0 : i32
      %dma_wait3A_85 = tpu.memref_slice %arg9[%add3A_41, %dma_wait3A_84] : memref<10240x128xf32, #tpu.memory_space<vmem_shared>> -> memref<80x128xf32, #tpu.memory_space<vmem_shared>>
      tpu.wait_dma2 semaphore(%run_scoped3A : memref<!tpu.dma_semaphore, #tpu.memory_space<semaphore_mem>>) src(%arg7 : memref<80x128xf32, #tpu.memory_space<vmem>>) dst(%dma_wait3A_85 : memref<80x128xf32, #tpu.memory_space<vmem_shared>>)
      tpu.yield
    }) : () -> ()
    %add3A_42 = arith.constant 400 : i32
    %add3A_43 = arith.addi %mul3A_31, %add3A_42 : i32
    "tpu.region"() ({
      %run_scoped3A = tpu.sem_alloc : memref<!tpu.dma_semaphore, #tpu.memory_space<semaphore_mem>>
      %dma_start3A_78 = arith.constant 0 : i32
      %dma_start3A_79 = tpu.memref_slice %arg9[%add3A_43, %dma_start3A_78] : memref<10240x128xf32, #tpu.memory_space<vmem_shared>> -> memref<80x128xf32, #tpu.memory_space<vmem_shared>>
      %dma_start3A_80 = arith.constant 0 : i32
      %dma_start3A_81 = tpu.memref_slice %arg9[%add3A_43, %dma_start3A_80] : memref<10240x128xf32, #tpu.memory_space<vmem_shared>> -> memref<80x128xf32, #tpu.memory_space<vmem_shared>>
      tpu.enqueue_dma source(%arg7 : memref<80x128xf32, #tpu.memory_space<vmem>>) target(%dma_start3A_81 : memref<80x128xf32, #tpu.memory_space<vmem_shared>>) target_semaphore(%run_scoped3A : memref<!tpu.dma_semaphore, #tpu.memory_space<semaphore_mem>>)
      %dma_wait3A_82 = arith.constant 0 : i32
      %dma_wait3A_83 = tpu.memref_slice %arg9[%add3A_43, %dma_wait3A_82] : memref<10240x128xf32, #tpu.memory_space<vmem_shared>> -> memref<80x128xf32, #tpu.memory_space<vmem_shared>>
      %dma_wait3A_84 = arith.constant 0 : i32
      %dma_wait3A_85 = tpu.memref_slice %arg9[%add3A_43, %dma_wait3A_84] : memref<10240x128xf32, #tpu.memory_space<vmem_shared>> -> memref<80x128xf32, #tpu.memory_space<vmem_shared>>
      tpu.wait_dma2 semaphore(%run_scoped3A : memref<!tpu.dma_semaphore, #tpu.memory_space<semaphore_mem>>) src(%arg7 : memref<80x128xf32, #tpu.memory_space<vmem>>) dst(%dma_wait3A_85 : memref<80x128xf32, #tpu.memory_space<vmem_shared>>)
      tpu.yield
    }) : () -> ()
    %add3A_44 = arith.constant 480 : i32
    %add3A_45 = arith.addi %mul3A_31, %add3A_44 : i32
    "tpu.region"() ({
      %run_scoped3A = tpu.sem_alloc : memref<!tpu.dma_semaphore, #tpu.memory_space<semaphore_mem>>
      %dma_start3A_78 = arith.constant 0 : i32
      %dma_start3A_79 = tpu.memref_slice %arg9[%add3A_45, %dma_start3A_78] : memref<10240x128xf32, #tpu.memory_space<vmem_shared>> -> memref<80x128xf32, #tpu.memory_space<vmem_shared>>
      %dma_start3A_80 = arith.constant 0 : i32
      %dma_start3A_81 = tpu.memref_slice %arg9[%add3A_45, %dma_start3A_80] : memref<10240x128xf32, #tpu.memory_space<vmem_shared>> -> memref<80x128xf32, #tpu.memory_space<vmem_shared>>
      tpu.enqueue_dma source(%arg7 : memref<80x128xf32, #tpu.memory_space<vmem>>) target(%dma_start3A_81 : memref<80x128xf32, #tpu.memory_space<vmem_shared>>) target_semaphore(%run_scoped3A : memref<!tpu.dma_semaphore, #tpu.memory_space<semaphore_mem>>)
      %dma_wait3A_82 = arith.constant 0 : i32
      %dma_wait3A_83 = tpu.memref_slice %arg9[%add3A_45, %dma_wait3A_82] : memref<10240x128xf32, #tpu.memory_space<vmem_shared>> -> memref<80x128xf32, #tpu.memory_space<vmem_shared>>
      %dma_wait3A_84 = arith.constant 0 : i32
      %dma_wait3A_85 = tpu.memref_slice %arg9[%add3A_45, %dma_wait3A_84] : memref<10240x128xf32, #tpu.memory_space<vmem_shared>> -> memref<80x128xf32, #tpu.memory_space<vmem_shared>>
      tpu.wait_dma2 semaphore(%run_scoped3A : memref<!tpu.dma_semaphore, #tpu.memory_space<semaphore_mem>>) src(%arg7 : memref<80x128xf32, #tpu.memory_space<vmem>>) dst(%dma_wait3A_85 : memref<80x128xf32, #tpu.memory_space<vmem_shared>>)
      tpu.yield
    }) : () -> ()
    %add3A_46 = arith.constant 560 : i32
    %add3A_47 = arith.addi %mul3A_31, %add3A_46 : i32
    "tpu.region"() ({
      %run_scoped3A = tpu.sem_alloc : memref<!tpu.dma_semaphore, #tpu.memory_space<semaphore_mem>>
      %dma_start3A_78 = arith.constant 0 : i32
      %dma_start3A_79 = tpu.memref_slice %arg9[%add3A_47, %dma_start3A_78] : memref<10240x128xf32, #tpu.memory_space<vmem_shared>> -> memref<80x128xf32, #tpu.memory_space<vmem_shared>>
      %dma_start3A_80 = arith.constant 0 : i32
      %dma_start3A_81 = tpu.memref_slice %arg9[%add3A_47, %dma_start3A_80] : memref<10240x128xf32, #tpu.memory_space<vmem_shared>> -> memref<80x128xf32, #tpu.memory_space<vmem_shared>>
      tpu.enqueue_dma source(%arg7 : memref<80x128xf32, #tpu.memory_space<vmem>>) target(%dma_start3A_81 : memref<80x128xf32, #tpu.memory_space<vmem_shared>>) target_semaphore(%run_scoped3A : memref<!tpu.dma_semaphore, #tpu.memory_space<semaphore_mem>>)
      %dma_wait3A_82 = arith.constant 0 : i32
      %dma_wait3A_83 = tpu.memref_slice %arg9[%add3A_47, %dma_wait3A_82] : memref<10240x128xf32, #tpu.memory_space<vmem_shared>> -> memref<80x128xf32, #tpu.memory_space<vmem_shared>>
      %dma_wait3A_84 = arith.constant 0 : i32
      %dma_wait3A_85 = tpu.memref_slice %arg9[%add3A_47, %dma_wait3A_84] : memref<10240x128xf32, #tpu.memory_space<vmem_shared>> -> memref<80x128xf32, #tpu.memory_space<vmem_shared>>
      tpu.wait_dma2 semaphore(%run_scoped3A : memref<!tpu.dma_semaphore, #tpu.memory_space<semaphore_mem>>) src(%arg7 : memref<80x128xf32, #tpu.memory_space<vmem>>) dst(%dma_wait3A_85 : memref<80x128xf32, #tpu.memory_space<vmem_shared>>)
      tpu.yield
    }) : () -> ()
    %dma_wait3A = arith.constant 0 : i32
    %dma_wait3A_48 = tpu.memref_slice %arg3[%dma_wait3A, %multiple_of3A_14] : memref<2x320000xi32, #tpu.memory_space<hbm>> -> memref<1x10112xi32, #tpu.memory_space<hbm>>
    %dma_wait3A_49 = tpu.memref_squeeze %dma_wait3A_48 : memref<1x10112xi32, #tpu.memory_space<hbm>> -> memref<10112xi32, #tpu.memory_space<hbm>>
    %dma_wait3A_50 = tpu.memref_slice %arg3[%dma_wait3A, %multiple_of3A_14] : memref<2x320000xi32, #tpu.memory_space<hbm>> -> memref<1x10112xi32, #tpu.memory_space<hbm>>
    %dma_wait3A_51 = tpu.memref_squeeze %dma_wait3A_50 : memref<1x10112xi32, #tpu.memory_space<hbm>> -> memref<10112xi32, #tpu.memory_space<hbm>>
    tpu.wait_dma2 semaphore(%arg10 : memref<!tpu.dma_semaphore, #tpu.memory_space<semaphore_mem>>) src(%dma_wait3A_51 : memref<10112xi32, #tpu.memory_space<hbm>>) dst(%arg5 : memref<10112xi32, #tpu.memory_space<vmem>>)
    %dma_wait3A_52 = arith.constant 1 : i32
    %dma_wait3A_53 = tpu.memref_slice %arg3[%dma_wait3A_52, %multiple_of3A_14] : memref<2x320000xi32, #tpu.memory_space<hbm>> -> memref<1x10112xi32, #tpu.memory_space<hbm>>
    %dma_wait3A_54 = tpu.memref_squeeze %dma_wait3A_53 : memref<1x10112xi32, #tpu.memory_space<hbm>> -> memref<10112xi32, #tpu.memory_space<hbm>>
    %dma_wait3A_55 = tpu.memref_slice %arg3[%dma_wait3A_52, %multiple_of3A_14] : memref<2x320000xi32, #tpu.memory_space<hbm>> -> memref<1x10112xi32, #tpu.memory_space<hbm>>
    %dma_wait3A_56 = tpu.memref_squeeze %dma_wait3A_55 : memref<1x10112xi32, #tpu.memory_space<hbm>> -> memref<10112xi32, #tpu.memory_space<hbm>>
    tpu.wait_dma2 semaphore(%arg11 : memref<!tpu.dma_semaphore, #tpu.memory_space<semaphore_mem>>) src(%dma_wait3A_56 : memref<10112xi32, #tpu.memory_space<hbm>>) dst(%arg6 : memref<10112xi32, #tpu.memory_space<vmem>>)
    %barrier3A = arith.constant 0 : index
    tpu.barrier barrier_id(%barrier3A)
    %add3A_57 = arith.constant 0 : i32
    %add3A_58 = arith.addi %multiple_of3A, %add3A_57 : i32
    %dma_start3A_59 = tpu.memref_slice %arg5[%add3A_58] : memref<10112xi32, #tpu.memory_space<vmem>> -> memref<80xi32, #tpu.memory_space<vmem>>
    %dma_start3A_60 = arith.constant 0 : i32
    %dma_start3A_61 = arith.constant 0 : i32
    %dma_start3A_62 = tpu.memref_slice %arg2[%dma_start3A_60, %dma_start3A_61] : memref<10000x128xf32, #tpu.memory_space<hbm>> -> memref<10000x128xf32, #tpu.memory_space<hbm>>
    tpu.enqueue_indirect_dma source(%dma_start3A_62 : memref<10000x128xf32, #tpu.memory_space<hbm>>) target(%arg7 : memref<80x128xf32, #tpu.memory_space<vmem>>) offsets(%dma_start3A_59 : memref<80xi32, #tpu.memory_space<vmem>>) semaphore(%arg10 : memref<!tpu.dma_semaphore, #tpu.memory_space<semaphore_mem>>)
    %scan3A_63 = arith.constant 0 : i32
    %scan3A_64 = arith.constant 0 : i32
    %scan3A_65 = arith.constant 62 : i32
    %scan3A_66 = arith.addi %scan3A_64, %scan3A_65 : i32
    %scan3A_67 = arith.constant 1 : i32
    scf.for %scan3A_78 = %scan3A_64 to %scan3A_66 step %scan3A_67  : i32 {
      %mul3A_79 = arith.constant 2 : i32
      %mul3A_80 = arith.muli %mul3A_79, %scan3A_78 : i32
      %add3A_81 = arith.constant 1 : i32
      %add3A_82 = arith.addi %mul3A_80, %add3A_81 : i32
      %mul3A_83 = arith.constant 80 : i32
      %mul3A_84 = arith.muli %add3A_82, %mul3A_83 : i32
      %add3A_85 = arith.addi %multiple_of3A, %mul3A_84 : i32
      %dma_start3A_86 = tpu.memref_slice %arg5[%add3A_85] : memref<10112xi32, #tpu.memory_space<vmem>> -> memref<80xi32, #tpu.memory_space<vmem>>
      %dma_start3A_87 = arith.constant 0 : i32
      %dma_start3A_88 = arith.constant 0 : i32
      %dma_start3A_89 = tpu.memref_slice %arg2[%dma_start3A_87, %dma_start3A_88] : memref<10000x128xf32, #tpu.memory_space<hbm>> -> memref<10000x128xf32, #tpu.memory_space<hbm>>
      tpu.enqueue_indirect_dma source(%dma_start3A_89 : memref<10000x128xf32, #tpu.memory_space<hbm>>) target(%arg8 : memref<80x128xf32, #tpu.memory_space<vmem>>) offsets(%dma_start3A_86 : memref<80xi32, #tpu.memory_space<vmem>>) semaphore(%arg11 : memref<!tpu.dma_semaphore, #tpu.memory_space<semaphore_mem>>)
      %mul3A_90 = arith.constant 80 : i32
      %mul3A_91 = arith.muli %mul3A_80, %mul3A_90 : i32
      %add3A_92 = arith.addi %multiple_of3A, %mul3A_91 : i32
      %dma_wait3A_93 = tpu.memref_slice %arg5[%add3A_92] : memref<10112xi32, #tpu.memory_space<vmem>> -> memref<80xi32, #tpu.memory_space<vmem>>
      %dma_wait3A_94 = arith.constant 0 : i32
      %dma_wait3A_95 = arith.constant 0 : i32
      %dma_wait3A_96 = tpu.memref_slice %arg2[%dma_wait3A_94, %dma_wait3A_95] : memref<10000x128xf32, #tpu.memory_space<hbm>> -> memref<10000x128xf32, #tpu.memory_space<hbm>>
      tpu.wait_indirect_dma semaphore(%arg10 : memref<!tpu.dma_semaphore, #tpu.memory_space<semaphore_mem>>) src(%dma_wait3A_96 : memref<10000x128xf32, #tpu.memory_space<hbm>>) dst(%arg7 : memref<80x128xf32, #tpu.memory_space<vmem>>)
      %mul3A_97 = arith.constant 80 : i32
      %mul3A_98 = arith.muli %mul3A_80, %mul3A_97 : i32
      %add3A_99 = arith.addi %multiple_of3A, %mul3A_98 : i32
      "tpu.region"() ({
        %run_scoped3A = tpu.sem_alloc : memref<!tpu.dma_semaphore, #tpu.memory_space<semaphore_mem>>
        %dma_start3A_123 = tpu.memref_slice %arg6[%add3A_99] : memref<10112xi32, #tpu.memory_space<vmem>> -> memref<80xi32, #tpu.memory_space<vmem>>
        %dma_start3A_124 = arith.constant 0 : i32
        %dma_start3A_125 = arith.constant 0 : i32
        %dma_start3A_126 = tpu.memref_slice %arg9[%dma_start3A_124, %dma_start3A_125] : memref<10240x128xf32, #tpu.memory_space<vmem_shared>> -> memref<10240x128xf32, #tpu.memory_space<vmem_shared>>
        tpu.enqueue_indirect_dma source(%arg7 : memref<80x128xf32, #tpu.memory_space<vmem>>) target(%dma_start3A_126 : memref<10240x128xf32, #tpu.memory_space<vmem_shared>>) offsets(%dma_start3A_123 : memref<80xi32, #tpu.memory_space<vmem>>) semaphore(%run_scoped3A : memref<!tpu.dma_semaphore, #tpu.memory_space<semaphore_mem>>) {add = true}
        %dma_wait3A_127 = tpu.memref_slice %arg6[%add3A_99] : memref<10112xi32, #tpu.memory_space<vmem>> -> memref<80xi32, #tpu.memory_space<vmem>>
        %dma_wait3A_128 = arith.constant 0 : i32
        %dma_wait3A_129 = arith.constant 0 : i32
        %dma_wait3A_130 = tpu.memref_slice %arg9[%dma_wait3A_128, %dma_wait3A_129] : memref<10240x128xf32, #tpu.memory_space<vmem_shared>> -> memref<10240x128xf32, #tpu.memory_space<vmem_shared>>
        tpu.wait_indirect_dma semaphore(%run_scoped3A : memref<!tpu.dma_semaphore, #tpu.memory_space<semaphore_mem>>) src(%arg7 : memref<80x128xf32, #tpu.memory_space<vmem>>) dst(%dma_wait3A_130 : memref<10240x128xf32, #tpu.memory_space<vmem_shared>>)
        tpu.yield
      }) : () -> ()
      %add3A_100 = arith.constant 2 : i32
      %add3A_101 = arith.addi %mul3A_80, %add3A_100 : i32
      %mul3A_102 = arith.constant 80 : i32
      %mul3A_103 = arith.muli %add3A_101, %mul3A_102 : i32
      %add3A_104 = arith.addi %multiple_of3A, %mul3A_103 : i32
      %dma_start3A_105 = tpu.memref_slice %arg5[%add3A_104] : memref<10112xi32, #tpu.memory_space<vmem>> -> memref<80xi32, #tpu.memory_space<vmem>>
      %dma_start3A_106 = arith.constant 0 : i32
      %dma_start3A_107 = arith.constant 0 : i32
      %dma_start3A_108 = tpu.memref_slice %arg2[%dma_start3A_106, %dma_start3A_107] : memref<10000x128xf32, #tpu.memory_space<hbm>> -> memref<10000x128xf32, #tpu.memory_space<hbm>>
      tpu.enqueue_indirect_dma source(%dma_start3A_108 : memref<10000x128xf32, #tpu.memory_space<hbm>>) target(%arg7 : memref<80x128xf32, #tpu.memory_space<vmem>>) offsets(%dma_start3A_105 : memref<80xi32, #tpu.memory_space<vmem>>) semaphore(%arg10 : memref<!tpu.dma_semaphore, #tpu.memory_space<semaphore_mem>>)
      %add3A_109 = arith.constant 1 : i32
      %add3A_110 = arith.addi %mul3A_80, %add3A_109 : i32
      %mul3A_111 = arith.constant 80 : i32
      %mul3A_112 = arith.muli %add3A_110, %mul3A_111 : i32
      %add3A_113 = arith.addi %multiple_of3A, %mul3A_112 : i32
      %dma_wait3A_114 = tpu.memref_slice %arg5[%add3A_113] : memref<10112xi32, #tpu.memory_space<vmem>> -> memref<80xi32, #tpu.memory_space<vmem>>
      %dma_wait3A_115 = arith.constant 0 : i32
      %dma_wait3A_116 = arith.constant 0 : i32
      %dma_wait3A_117 = tpu.memref_slice %arg2[%dma_wait3A_115, %dma_wait3A_116] : memref<10000x128xf32, #tpu.memory_space<hbm>> -> memref<10000x128xf32, #tpu.memory_space<hbm>>
      tpu.wait_indirect_dma semaphore(%arg11 : memref<!tpu.dma_semaphore, #tpu.memory_space<semaphore_mem>>) src(%dma_wait3A_117 : memref<10000x128xf32, #tpu.memory_space<hbm>>) dst(%arg8 : memref<80x128xf32, #tpu.memory_space<vmem>>)
      %add3A_118 = arith.constant 1 : i32
      %add3A_119 = arith.addi %mul3A_80, %add3A_118 : i32
      %mul3A_120 = arith.constant 80 : i32
      %mul3A_121 = arith.muli %add3A_119, %mul3A_120 : i32
      %add3A_122 = arith.addi %multiple_of3A, %mul3A_121 : i32
      "tpu.region"() ({
        %run_scoped3A = tpu.sem_alloc : memref<!tpu.dma_semaphore, #tpu.memory_space<semaphore_mem>>
        %dma_start3A_123 = tpu.memref_slice %arg6[%add3A_122] : memref<10112xi32, #tpu.memory_space<vmem>> -> memref<80xi32, #tpu.memory_space<vmem>>
        %dma_start3A_124 = arith.constant 0 : i32
        %dma_start3A_125 = arith.constant 0 : i32
        %dma_start3A_126 = tpu.memref_slice %arg9[%dma_start3A_124, %dma_start3A_125] : memref<10240x128xf32, #tpu.memory_space<vmem_shared>> -> memref<10240x128xf32, #tpu.memory_space<vmem_shared>>
        tpu.enqueue_indirect_dma source(%arg8 : memref<80x128xf32, #tpu.memory_space<vmem>>) target(%dma_start3A_126 : memref<10240x128xf32, #tpu.memory_space<vmem_shared>>) offsets(%dma_start3A_123 : memref<80xi32, #tpu.memory_space<vmem>>) semaphore(%run_scoped3A : memref<!tpu.dma_semaphore, #tpu.memory_space<semaphore_mem>>) {add = true}
        %dma_wait3A_127 = tpu.memref_slice %arg6[%add3A_122] : memref<10112xi32, #tpu.memory_space<vmem>> -> memref<80xi32, #tpu.memory_space<vmem>>
        %dma_wait3A_128 = arith.constant 0 : i32
        %dma_wait3A_129 = arith.constant 0 : i32
        %dma_wait3A_130 = tpu.memref_slice %arg9[%dma_wait3A_128, %dma_wait3A_129] : memref<10240x128xf32, #tpu.memory_space<vmem_shared>> -> memref<10240x128xf32, #tpu.memory_space<vmem_shared>>
        tpu.wait_indirect_dma semaphore(%run_scoped3A : memref<!tpu.dma_semaphore, #tpu.memory_space<semaphore_mem>>) src(%arg8 : memref<80x128xf32, #tpu.memory_space<vmem>>) dst(%dma_wait3A_130 : memref<10240x128xf32, #tpu.memory_space<vmem_shared>>)
        tpu.yield
      }) : () -> ()
    }
    %scan3A_68 = arith.constant 62 : i32
    %add3A_69 = arith.constant 9920 : i32
    %add3A_70 = arith.addi %multiple_of3A, %add3A_69 : i32
    %dma_wait3A_71 = tpu.memref_slice %arg5[%add3A_70] : memref<10112xi32, #tpu.memory_space<vmem>> -> memref<80xi32, #tpu.memory_space<vmem>>
    %dma_wait3A_72 = arith.constant 0 : i32
    %dma_wait3A_73 = arith.constant 0 : i32
    %dma_wait3A_74 = tpu.memref_slice %arg2[%dma_wait3A_72, %dma_wait3A_73] : memref<10000x128xf32, #tpu.memory_space<hbm>> -> memref<10000x128xf32, #tpu.memory_space<hbm>>
    tpu.wait_indirect_dma semaphore(%arg10 : memref<!tpu.dma_semaphore, #tpu.memory_space<semaphore_mem>>) src(%dma_wait3A_74 : memref<10000x128xf32, #tpu.memory_space<hbm>>) dst(%arg7 : memref<80x128xf32, #tpu.memory_space<vmem>>)
    %add3A_75 = arith.constant 9920 : i32
    %add3A_76 = arith.addi %multiple_of3A, %add3A_75 : i32
    "tpu.region"() ({
      %run_scoped3A = tpu.sem_alloc : memref<!tpu.dma_semaphore, #tpu.memory_space<semaphore_mem>>
      %dma_start3A_78 = tpu.memref_slice %arg6[%add3A_76] : memref<10112xi32, #tpu.memory_space<vmem>> -> memref<80xi32, #tpu.memory_space<vmem>>
      %dma_start3A_79 = arith.constant 0 : i32
      %dma_start3A_80 = arith.constant 0 : i32
      %dma_start3A_81 = tpu.memref_slice %arg9[%dma_start3A_79, %dma_start3A_80] : memref<10240x128xf32, #tpu.memory_space<vmem_shared>> -> memref<10240x128xf32, #tpu.memory_space<vmem_shared>>
      tpu.enqueue_indirect_dma source(%arg7 : memref<80x128xf32, #tpu.memory_space<vmem>>) target(%dma_start3A_81 : memref<10240x128xf32, #tpu.memory_space<vmem_shared>>) offsets(%dma_start3A_78 : memref<80xi32, #tpu.memory_space<vmem>>) semaphore(%run_scoped3A : memref<!tpu.dma_semaphore, #tpu.memory_space<semaphore_mem>>) {add = true}
      %dma_wait3A_82 = tpu.memref_slice %arg6[%add3A_76] : memref<10112xi32, #tpu.memory_space<vmem>> -> memref<80xi32, #tpu.memory_space<vmem>>
      %dma_wait3A_83 = arith.constant 0 : i32
      %dma_wait3A_84 = arith.constant 0 : i32
      %dma_wait3A_85 = tpu.memref_slice %arg9[%dma_wait3A_83, %dma_wait3A_84] : memref<10240x128xf32, #tpu.memory_space<vmem_shared>> -> memref<10240x128xf32, #tpu.memory_space<vmem_shared>>
      tpu.wait_indirect_dma semaphore(%run_scoped3A : memref<!tpu.dma_semaphore, #tpu.memory_space<semaphore_mem>>) src(%arg7 : memref<80x128xf32, #tpu.memory_space<vmem>>) dst(%dma_wait3A_85 : memref<10240x128xf32, #tpu.memory_space<vmem_shared>>)
      tpu.yield
    }) : () -> ()
    %barrier3A_77 = arith.constant 0 : index
    tpu.barrier barrier_id(%barrier3A_77)
    "tpu.region"() ({
      %run_scoped3A = tpu.sem_alloc : memref<!tpu.dma_semaphore, #tpu.memory_space<semaphore_mem>>
      %dma_start3A_78 = arith.constant 0 : i32
      %dma_start3A_79 = tpu.memref_slice %arg4[%arg0, %mul3A_31, %dma_start3A_78] : memref<2x10240x128xf32, #tpu.memory_space<hbm>> -> memref<1x640x128xf32, #tpu.memory_space<hbm>>
      %dma_start3A_80 = tpu.memref_squeeze %dma_start3A_79 : memref<1x640x128xf32, #tpu.memory_space<hbm>> -> memref<640x128xf32, #tpu.memory_space<hbm>>
      %dma_start3A_81 = arith.constant 0 : i32
      %dma_start3A_82 = tpu.memref_slice %arg9[%mul3A_31, %dma_start3A_81] : memref<10240x128xf32, #tpu.memory_space<vmem_shared>> -> memref<640x128xf32, #tpu.memory_space<vmem_shared>>
      tpu.enqueue_dma source(%dma_start3A_82 : memref<640x128xf32, #tpu.memory_space<vmem_shared>>) target(%dma_start3A_80 : memref<640x128xf32, #tpu.memory_space<hbm>>) target_semaphore(%run_scoped3A : memref<!tpu.dma_semaphore, #tpu.memory_space<semaphore_mem>>)
      %dma_wait3A_83 = arith.constant 0 : i32
      %dma_wait3A_84 = tpu.memref_slice %arg4[%arg0, %mul3A_31, %dma_wait3A_83] : memref<2x10240x128xf32, #tpu.memory_space<hbm>> -> memref<1x640x128xf32, #tpu.memory_space<hbm>>
      %dma_wait3A_85 = tpu.memref_squeeze %dma_wait3A_84 : memref<1x640x128xf32, #tpu.memory_space<hbm>> -> memref<640x128xf32, #tpu.memory_space<hbm>>
      %dma_wait3A_86 = arith.constant 0 : i32
      %dma_wait3A_87 = tpu.memref_slice %arg9[%mul3A_31, %dma_wait3A_86] : memref<10240x128xf32, #tpu.memory_space<vmem_shared>> -> memref<640x128xf32, #tpu.memory_space<vmem_shared>>
      tpu.wait_dma2 semaphore(%run_scoped3A : memref<!tpu.dma_semaphore, #tpu.memory_space<semaphore_mem>>) src(%dma_wait3A_87 : memref<640x128xf32, #tpu.memory_space<vmem_shared>>) dst(%dma_wait3A_85 : memref<640x128xf32, #tpu.memory_space<hbm>>)
      tpu.yield
    }) : () -> ()
    return
  }
}

module attributes {stable_mosaic.version = 14 : i64} {
  func.func @tc_kernel(%arg0: memref<2x10240x128xf32, #tpu.memory_space<vmem>>, %arg1: memref<10000x128xf32, #tpu.memory_space<vmem>>, %arg2: memref<128x128xf32, #tpu.memory_space<vmem>>, %arg3: memref<128x128xf32, #tpu.memory_space<vmem>>, %arg4: memref<1x128xf32, #tpu.memory_space<vmem>>, %arg5: memref<10000x128xf32, #tpu.memory_space<vmem>>) attributes {dimension_semantics = [], scalar_prefetch = 0 : i64, scratch_operands = 0 : i64, tpu.core_type = #tpu.core_type<tc>} {
    %get3A = arith.constant 0 : index
    %get3A_0 = arith.constant 0 : index
    %get3A_1 = arith.constant 0 : index
    %get3A_2 = vector.load %arg0[%get3A, %get3A_0, %get3A_1] : memref<2x10240x128xf32, #tpu.memory_space<vmem>>, vector<1x10000x128xf32>
    %get3A_3 = vector.shape_cast %get3A_2 : vector<1x10000x128xf32> to vector<10000x128xf32>
    %get3A_4 = arith.constant 1 : index
    %get3A_5 = arith.constant 0 : index
    %get3A_6 = arith.constant 0 : index
    %get3A_7 = vector.load %arg0[%get3A_4, %get3A_5, %get3A_6] : memref<2x10240x128xf32, #tpu.memory_space<vmem>>, vector<1x10000x128xf32>
    %get3A_8 = vector.shape_cast %get3A_7 : vector<1x10000x128xf32> to vector<10000x128xf32>
    %add3A = arith.addf %get3A_3, %get3A_8 : vector<10000x128xf32>
    %get3A_9 = arith.constant 0 : index
    %get3A_10 = arith.constant 0 : index
    %get3A_11 = vector.load %arg2[%get3A_9, %get3A_10] : memref<128x128xf32, #tpu.memory_space<vmem>>, vector<128x128xf32>
    %dot_general3A = arith.constant dense<0.000000e+00> : vector<10000x128xf32>
    %dot_general3A_12 = tpu.matmul %add3A, %get3A_11, %dot_general3A {dimension_numbers = #tpu.dot_dimension_numbers<[1], [1], [0], [0], [0, 0, 1, 0], [], []>, transpose_lhs_hint = false} : vector<10000x128xf32>, vector<128x128xf32>, vector<10000x128xf32> -> vector<10000x128xf32>
    %get3A_13 = arith.constant 0 : index
    %get3A_14 = arith.constant 0 : index
    %get3A_15 = vector.load %arg1[%get3A_13, %get3A_14] : memref<10000x128xf32, #tpu.memory_space<vmem>>, vector<10000x128xf32>
    %get3A_16 = arith.constant 0 : index
    %get3A_17 = arith.constant 0 : index
    %get3A_18 = vector.load %arg3[%get3A_16, %get3A_17] : memref<128x128xf32, #tpu.memory_space<vmem>>, vector<128x128xf32>
    %dot_general3A_19 = arith.constant dense<0.000000e+00> : vector<10000x128xf32>
    %dot_general3A_20 = tpu.matmul %get3A_15, %get3A_18, %dot_general3A_19 {dimension_numbers = #tpu.dot_dimension_numbers<[1], [1], [0], [0], [0, 0, 1, 0], [], []>, transpose_lhs_hint = false} : vector<10000x128xf32>, vector<128x128xf32>, vector<10000x128xf32> -> vector<10000x128xf32>
    %add3A_21 = arith.addf %dot_general3A_12, %dot_general3A_20 : vector<10000x128xf32>
    %get3A_22 = arith.constant 0 : index
    %get3A_23 = arith.constant 0 : index
    %get3A_24 = vector.load %arg4[%get3A_22, %get3A_23] : memref<1x128xf32, #tpu.memory_space<vmem>>, vector<1x128xf32>
    %add3A_25 = vector.broadcast %get3A_24 : vector<1x128xf32> to vector<10000x128xf32>
    %add3A_26 = arith.addf %add3A_21, %add3A_25 : vector<10000x128xf32>
    %max3A = arith.constant 0.000000e+00 : f32
    %max3A_27 = vector.broadcast %max3A : f32 to vector<10000x128xf32>
    %max3A_28 = arith.maximumf %add3A_26, %max3A_27 : vector<10000x128xf32>
    %swap3A = arith.constant 0 : index
    %swap3A_29 = arith.constant 0 : index
    %swap3A_30 = vector.load %arg5[%swap3A, %swap3A_29] : memref<10000x128xf32, #tpu.memory_space<vmem>>, vector<10000x128xf32>
    tpu.vector_store %arg5[%swap3A, %swap3A_29], %max3A_28 {strides = array<i32>} : memref<10000x128xf32, #tpu.memory_space<vmem>>, vector<10000x128xf32>,
    return
  }
}

</mosaic_0001>

<sc_bundles>
// kernel: kernel.4.cloned.1.call-start
scs
__scs_entry_jumppad:
0x0: {  	(pc) =	sbr.rel $0x88, $3  }
0x1: {  	(tag) =	ssettag $0x0;
	lr =	simm.s32 $0x1  }
0x2: {  	[smem:$0x3F9C] =	sst lr;
	_ =	strace $0xD0000000  }
0x3: {  	_ = 	snop  }
0x4: {  	_ = 	snop  }
0x5: {  	_ = 	snop  }
0x6: {  	_ = 	snop  }
0x7: {  	_ = 	snop  }
__scs_overlays_trampoline_lowered:
0x8: {  	[smem:$0x3FAB] =	sst s0  }
0x9: {  	[smem:$0x3FAC] =	sst s1  }
0xa: {  	[smem:$0x3FAD] =	sst s2  }
0xb: {  	[smem:$0x3FAE] =	sst s3  }
0xc: {  	[smem:$0x3FAF] =	sst s4  }
0xd: {  	[smem:$0x3FB0] =	sst s5  }
0xe: {  	[smem:$0x3FB1] =	sst s6  }
0xf: {  	[smem:$0x3FB2] =	sst s7  }
0x10: {  	[smem:$0x3FB3] =	sst s8  }
0x11: {  	[smem:$0x3FB4] =	sst s9;
	s0 =	simm.s32 @!p0 $0x0  }
0x12: {  	s1 =	sld [smem:$0x3F9A];
	s0 =	simm.s32 @p0 $0x1  }
0x13: {  	[smem:$0x3FB5] =	sst s0;
	s0 =	simm.s32 @!p1 $0x0  }
0x14: {  	s2 =	sld [smem:$0x3F99];
	s0 =	simm.s32 @p1 $0x1  }
0x15: {  	[smem:$0x3FB6] =	sst s0;
	s0 =	simm.s32 @!p2 $0x0  }
0x16: {  	s3 =	sld [smem:$0x3FDB];
	s0 =	simm.s32 @p2 $0x1  }
0x17: {  	s4 =	simm.s32 $0x1BF5;
	[smem:$0x3FB8] =	sst s0  }
0x18: {  	s0 =	sld [smem:$0x3F9B];
	_ =	swait.ge [sflag:s4], $0x0  }
0x19: {  	s7 =	sld [smem:$0x3F9C]  }
0x1a: {  	s8 =	sadd.s32 $0xFFFFE003, lr  }
0x1b: {  	s9 =	sadd.s32 $0xFFFFFEF7, lr;
	s5 =	simm.s32 $0xFFFFFFFF;
	p2 =	slt.u32 s8, $0xFFFFF086  }
0x1c: {  	p1 =	slt.u32 s9, $0xF7A;
	s5 =	simm.s32 @!p2 $0x0  }
0x1d: {  	s5 =	simm.s32 @p1 $0x1;
	p0 =	seq.s32 s7, s2  }
0x1e: {  	s7 =	smul.u32 @!p0 $0xF7A, s2;
	p2 =	seq.s32 @!p0 s5, $0x0  }
0x1f: {  	s9 =	smul.u32 $0xF7A, s1;
	s8 =	simm.s32 @!p0 $0x1BF5;
	p2 =	por !p2, p0  }
0x20: {  	[sflag:s8] =	ssyncset.s32 @!p0 $0xFFFFF086;
	s6 =	sadd.s32 @!p0 s3, s7;
	s7 =	simm.s32 @!p0 $0x108  }
0x21: {  	s3 =	sadd.s32 s3, s9;
	s6 =	sadd.s32 @!p0 $0x88, s6;
	s7 =	simm.s32 @p2 $0x1082  }
0x22: {  	[simem:s7], [sflag:s8] =	dma.local @!p0 [hbm:s6], $0xF7A  }
0x23: {  	s9 =	sor.u32 $0xD0000000, s2;
	s6 =	simm.s32 $0x108;
	_ =	swait.ge @!p0 [sflag:s8], $0x0  }
0x24: {  	s3 =	sadd.s32 $0x88, s3;
	s6 =	simm.s32 @!p1 $0x1082;
	[sflag:s4] =	ssyncset.s32 $0xFFFFF086  }
0x25: {  	[simem:s6], [sflag:s4] =	dma.local [hbm:s3], $0xF7A  }
0x26: {  	[smem:$0x3F9C] =	sst s1;
	(tag) =	ssettag s2;
	_ =	strace s9  }
0x27: {  	s1 =	sld [smem:$0x3FAC]  }
0x28: {  	s2 =	sld [smem:$0x3FAD]  }
0x29: {  	s4 =	sld [smem:$0x3FAF]  }
0x2a: {  	p0 =	seq.s32 s5, $0x0;
	s5 =	sld [smem:$0x3FB0]  }
0x2b: {  	s6 =	sld [smem:$0x3FB1]  }
0x2c: {  	s7 =	sld [smem:$0x3FB2]  }
0x2d: {  	s3 =	simm.s32 $0x108;
	s8 =	sld [smem:$0x3FB3]  }
0x2e: {  	s3 =	simm.s32 @!p0 $0x1082;
	s9 =	sld [smem:$0x3FB4]  }
0x2f: {  	lr =	sadd.s32 s0, s3;
	s0 =	sld [smem:$0x3FAB]  }
0x30: {  	s3 =	sld [smem:$0x3FAE]  }
0x31: {  	[smem:$0x3FB7] =	sst s10  }
0x32: {  	s10 =	sld [smem:$0x3FB5];
	_ =	sdelay $0x3  }
0x33: {  	p0 =	seq.s32 s10, $0x1;
	s10 =	sld [smem:$0x3FB7];
	_ =	sdelay $0x3  }
0x34: {  	[smem:$0x3FB7] =	sst s10  }
0x35: {  	s10 =	sld [smem:$0x3FB6];
	_ =	sdelay $0x3  }
0x36: {  	p1 =	seq.s32 s10, $0x1;
	s10 =	sld [smem:$0x3FB7];
	_ =	sdelay $0x3  }
0x37: {  	[smem:$0x3FB7] =	sst s10  }
0x38: {  	s10 =	sld [smem:$0x3FB8]  }
0x39: {  	_ = 	snop;
	(pc) =	sbr.ind lr, $3  }
0x3a: {  	_ = 	snop  }
0x3b: {  	_ = 	snop  }
0x3c: {  	p2 =	seq.s32 s10, $0x1;
	s10 =	sld [smem:$0x3FB7]  }
0x3d: {  	_ =	shalt  }
0x3e: {  	_ =	shalt  }
0x3f: {  	_ =	shalt  }
0x40: {  	_ =	shalt  }
0x41: {  	_ =	shalt  }
0x42: {  	_ =	shalt  }
0x43: {  	_ =	shalt  }
0x44: {  	_ =	shalt  }
0x45: {  	_ =	shalt  }
0x46: {  	_ =	shalt  }
0x47: {  	_ =	shalt  }
0x48: {  	_ =	shalt  }
0x49: {  	_ =	shalt  }
0x4a: {  	_ =	shalt  }
0x4b: {  	_ =	shalt  }
0x4c: {  	_ =	shalt  }
0x4d: {  	_ =	shalt  }
0x4e: {  	_ =	shalt  }
0x4f: {  	_ =	shalt  }
0x50: {  	_ =	shalt  }
0x51: {  	_ =	shalt  }
0x52: {  	_ =	shalt  }
0x53: {  	_ =	shalt  }
0x54: {  	_ =	shalt  }
0x55: {  	_ =	shalt  }
0x56: {  	_ =	shalt  }
0x57: {  	_ =	shalt  }
0x58: {  	_ =	shalt  }
0x59: {  	_ =	shalt  }
0x5a: {  	_ =	shalt  }
0x5b: {  	_ =	shalt  }
0x5c: {  	_ =	shalt  }
0x5d: {  	_ =	shalt  }
0x5e: {  	_ =	shalt  }
0x5f: {  	_ =	shalt  }
0x60: {  	_ =	shalt  }
0x61: {  	_ =	shalt  }
0x62: {  	_ =	shalt  }
0x63: {  	_ =	shalt  }
0x64: {  	_ =	shalt  }
0x65: {  	_ =	shalt  }
0x66: {  	_ =	shalt  }
0x67: {  	_ =	shalt  }
0x68: {  	_ =	shalt  }
0x69: {  	_ =	shalt  }
0x6a: {  	_ =	shalt  }
0x6b: {  	_ =	shalt  }
0x6c: {  	_ =	shalt  }
0x6d: {  	_ =	shalt  }
0x6e: {  	_ =	shalt  }
0x6f: {  	_ =	shalt  }
0x70: {  	_ =	shalt  }
0x71: {  	_ =	shalt  }
0x72: {  	_ =	shalt  }
0x73: {  	_ =	shalt  }
0x74: {  	_ =	shalt  }
0x75: {  	_ =	shalt  }
0x76: {  	_ =	shalt  }
0x77: {  	_ =	shalt  }
0x78: {  	_ =	shalt  }
0x79: {  	_ =	shalt  }
0x7a: {  	_ =	shalt  }
0x7b: {  	_ =	shalt  }
0x7c: {  	_ =	shalt  }
0x7d: {  	_ =	shalt  }
0x7e: {  	_ =	shalt  }
0x7f: {  	_ =	shalt  }
0x80: {  	_ =	shalt  }
0x81: {  	_ =	shalt  }
0x82: {  	_ =	shalt  }
0x83: {  	_ =	shalt  }
0x84: {  	_ =	shalt  }
0x85: {  	_ =	shalt  }
0x86: {  	_ =	shalt  }
0x87: {  	_ =	shalt  }
.Lfunc_end0:
.L_simem_size_0:
called_computation_lowered:
.L_overlay_start_0:
0x88: {  	s2 =	sld [smem:$0x3FD9]  }
0x89: {  	s3 =	sld [smem:$0x3FFE];
	_ =	sdelay $0x1  }
0x8a: {  	s1 =	srdreg.scid  }
0x8b: {  	s0 =	sand.u32 $0x1, s1  }
0x8c: {  	s17 =	sshll.u32 s0, $0xA;
	s2 =	sadd.s32 s3, s2  }
0x8d: {  	s2 =	sadd.s32 s2, s17  }
0x8e: {  	[smem:$0x3FC3] =	sst s2  }
0x8f: {  	_ = 	snop  }
0x90: {  	s2 =	sld [smem:$0x3FC9]  }
0x91: {  	s18 =	sld [smem:$0x3FC8];
	(tm) =	ssettm $0x1  }
0x92: {  	s4 =	sld [smem:$0x3FFB];
	_ =	sdelay $0x3  }
0x93: {  	_ =	strace s4  }
0x94: {  	s4 =	sld [smem:$0x3FFC];
	_ =	sdelay $0x3  }
0x95: {  	_ =	strace s4  }
0x96: {  	s4 =	sld [smem:$0x3FFD];
	_ =	sdelay $0x3  }
0x97: {  	_ =	strace s4  }
0x98: {  	_ =	strace $0x8FFFFFFF  }
0x99: {  	s19 =	sld [smem:$0x3FDB];
	_ =	sdelay $0x1  }
0x9a: {  	s5 =	simm.s32 $_scs_section_size  }
0x9b: {  	s6 =	simm.s32 $_size__tile_overlayer_lowered;
	s7 =	simm.s32 $_tile_overlayer_lowered  }
0x9c: {  	s22 =	simm.s32 $0x1BFF;
	s21 =	sshll.u32 s7, $0x1;
	s4 =	sadd.s32 s5, s19  }
0x9d: {  	s8 =	simm.s32 $0x0;
	s20 =	sshll.u32 s6, $0x1;
	s6 =	sadd.s32 s21, s4  }
0x9e: {  	[timem:s8], [sflag:s22] =	dma.local [hbm:s6], s20  }
0x9f: {  	_ =	swait.ge [sflag:s22], s20  }
0xa0: {  	s5 =	ssub.s32 $0x0, s20;
	[sflag:s22] =	ssyncset.done $0x0  }
0xa1: {  	[sflag:s22] =	ssyncadd.s32 s5;
	_ =	sdelay $0x1  }
0xa2: {  	s23 =	simm.s32 $0x1B8B  }
0xa3: {  	_ =	swait.ge [sflag:s23], $0x1  }
0xa4: {  	[sflag:s23] =	ssyncset.done $0x0  }
0xa5: {  	s25 =	simm.s32 $0x1B8E;
	s24 =	sld [smem:$0x3FFE];
	[sflag:s23] =	ssyncadd.s32 $0xFFFFFFFF  }
0xa6: {  	s26 =	simm.s32 $execute0_lowered;
	[smem:$0x3FD2] =	sst s25  }
0xa7: {  	s6 =	sshll.u32 s26, $0x1;
	_ =	strace $0x80000046;
	[dreg:$0x1] =	wrdreg $0xFFFFFFFF  }
0xa8: {  	s28 =	simm.s32 $_size_execute0_lowered;
	s4 =	sadd.s32 s4, s6;
	[dreg:$0x0] =	wrdreg $0x0  }
0xa9: {  	s6 =	sshll.u32 s28, $0x1;
	[dreg:$0x2] =	wrdreg s4  }
0xaa: {  	[dreg:$0x3] =	wrdreg s6  }
0xab: {  	[dreg:$0x4] =	wrdreg $0xC0  }
0xac: {  	_ =	task [dreg:s8], $0x5FFFF  }
0xad: {  	[dreg:$0x1] =	wrdreg $0xFFFFFFFF  }
0xae: {  	[dreg:$0x0] =	wrdreg $0x60  }
0xaf: {  	[dreg:$0x2] =	wrdreg s2  }
0xb0: {  	[dreg:$0x3] =	wrdreg s18  }
0xb1: {  	[dreg:$0x4] =	wrdreg s24  }
0xb2: {  	[dreg:$0x5] =	wrdreg $0x9F000  }
0xb3: {  	[dreg:$0x6] =	wrdreg $0x9  }
0xb4: {  	_ =	task.clear_ibuf [dreg:s8], $0x7FFFF;
	_ =	strace $0x90000046  }
0xb5: {  	s29 =	simm.s32 $0x9;
	_ =	strace $0x80000048  }
0xb6: {  	_ =	swait.ge [sflag:s29], $0x1  }
0xb7: {  	[sflag:s29] =	ssyncadd.s32 $0xFFFFFFFF  }
0xb8: {  	_ =	strace $0x90000048  }
0xb9: {  	_ =	sfence  }
0xba: {  	s30 =	sld [smem:$0x0];
	_ =	sdelay $0x2  }
0xbb: {  	s31 =	sshll.u32 s1, $0xD;
	s1 =	sshrl.u32 s1, $0x2  }
0xbc: {  	s3 =	sand.u32 $0x4000, s31;
	s1 =	sadd.s32 s1, s30  }
0xbd: {  	s0 =	sor.u32 s3, s0;
	s1 =	sshll.u32 s1, $0x11  }
0xbe: {  	s0 =	sor.u32 s1, s0  }
0xbf: {  	s0 =	sadd.s32 $0x8F2B, s0  }
0xc0: {  	[sflag:s0] =	ssyncadd.remote.s32 $0x1  }
0xc1: {  	_ =	sfence.sel $0xFFFF  }
0xc2: {  	[dreg:$0x0] =	wrdreg $0xFFFFFFFF;
	(pc) =	sbr.abs _section_cstart, $3  }
0xc3: {  	[dreg:$0x1] =	wrdreg $0xFFFFFFFF  }
0xc4: {  	_ =	task.clear_ibuf [dreg:s8], $0x2FFFF;
	_ =	strace $0x9FFFFFFF  }
0xc5: {  	(tm) =	ssettm $0x7FFFFFFF  }
tec
execute0_lowered:
.L_overlay_start_1:
0x0: {  	(tag) =	ssettag $0x1  }
0x1: {  	s0 =	rddreg [dreg:$0x0]  }
0x2: {  	s2 =	rddreg [dreg:$0x1]  }
0x3: {  	s4 =	rddreg [dreg:$0x2];
	s1 =	srdreg.scid  }
0x4: {  	s3 =	rddreg [dreg:$0x3];
	s20 =	stileid.u32;
	s11 =	simm.s32 $0x0  }
0x5: {  	s28 =	simm.s32 $0x50;
	s29 =	simm.s32 $0x7700;
	s8 =	smul.u32 $0x14000, s20  }
0x6: {  	s30 =	simm.s32 $0x0;
	s6 =	sand.u32 $0x1, s1;
	s22 =	smul.u32 $0x50000, s20  }
0x7: {  	s9 =	sshll.u32 s20, $0x4;
	[smem:$0x7FF] =	sst s11;
	s7 =	smul.u32 $0x140000, s6  }
0x8: {  	s5 =	sshll.u32 s6, $0x4;
	_ =	strace $0x80000047;
	s23 =	ssub.s32 $0x2, s6  }
0x9: {  	s5 =	sor.u32 s20, s5;
	s25 =	sshrl.u32 s23, $0x1;
	s26 =	sshrl.u32 s22, $0x2  }
0xa: {  	s20 =	simm.s32 $0x80;
	s10 =	smul.u32 $0x2710, s5;
	s5 =	sand.u32 $0x70, s9  }
0xb: {  	s7 =	sadd.s32 s8, s7;
	s19 =	ssub.s32 s23, s25;
	s23 =	simm.s32 $0x4F00  }
0xc: {  	s25 =	simm.s32 $0x1;
	s7 =	sshrl.u32 s7, $0x3;
	s16 =	sor.u32 $0x2780, s5  }
0xd: {  	s17 =	sadd.s32 $0x4E40, s5;
	s21 =	ssub.s32 s10, s5;
	s4 =	sadd.s32 s7, s4  }
0xe: {  	s19 =	smax.u32 s19, $0x1;
	s8 =	sshrl.u32 s21, $0x2;
	s18 =	sadd.s32 $0xE00, s4  }
0xf: {  	s21 =	simm.s32 $0x100;
	s24 =	sand.u32 $0x1FFFFFE0, s8;
	s8 =	sadd.s32 s26, s3  }
0x10: {  	s26 =	simm.s32 $0x2;
	s6 =	sadd.s32 s2, s24;
	s9 =	sadd.s32 $0x2800, s8  }
0x11: {  	s10 =	sadd.s32 $0x5000, s8;
	s11 =	sadd.s32 $0x7800, s8;
	s12 =	sadd.s32 $0xA000, s8  }
0x12: {  	s13 =	sadd.s32 $0xC800, s8;
	s14 =	sadd.s32 $0xF000, s8;
	s31 =	sadd.s32 $0x10, s6  }
0x13: {  	v0 =	vimm.f32 $0.0e+00;
	s15 =	sadd.s32 $0x11800, s8;
	s24 =	simm.s32 $0x3;
	[dreg:$0x5] =	wrdreg s31  }
.LBB2_1:
0x14: {  	s1 =	simm.s32 $0x0  }
0x15: {  	[tilespmem:s1], [sflag:$0x1] =	stream.strided.gather [hbm4b:s6+s20], $0x2780, s21, s20, $0x38;
	[tilespmem:$0x1DF00] =	vst v63  }
0x16: {  	s22 =	rddreg [dreg:$0x5];
	s2 =	simm.s32 $0x2780  }
0x17: {  	[tilespmem:s2], [sflag:$0x2] =	stream.strided.gather [hbm4b:s22+s20], $0x2780, s21, s20, $0x38;
	[tilespmem:$0x1DF00] =	vst v63  }
0x18: {  	s2 =	simm.s32 $0x4F40  }
0x19: {  	[tilespmem:s2+$0xFFFFFFC0] =	vst v0  }
0x1a: {  	[tilespmem:s2+$0x30] =	vst v0  }
0x1b: {  	[tilespmem:s2+$0x20] =	vst v0  }
0x1c: {  	[tilespmem:s2+$0x10] =	vst v0  }
0x1d: {  	[tilespmem:s2+$0x0] =	vst v0  }
0x1e: {  	[tilespmem:s2+$0xFFFFFFF0] =	vst v0  }
0x1f: {  	s31 =	simm.s32 $0x0;
	[tilespmem:s2+$0xFFFFFFE0] =	vst v0  }
.LBB2_2:
0x20: {  	s31 =	sadd.s32 $0x8, s31;
	[tilespmem:s2+$0xFFFFFFD0] =	vst v0;
	s2 =	sadd.s32 $0x80, s2  }
0x21: {  	[tilespmem:s2+$0xFFFFFFC0] =	vst v0;
	p0 =	slt.u32 s31, $0x278  }
0x22: {  	[tilespmem:s2+$0x30] =	vst v0  }
.Ltmp0:
0x23: {  	[tilespmem:s2+$0x20] =	vst v0;
	(pc) =	sbr.rel @p0 .LBB2_2-.Ltmp0, $4  }
0x24: {  	[tilespmem:s2+$0x10] =	vst v0  }
0x25: {  	[tilespmem:s2+$0x0] =	vst v0  }
0x26: {  	[tilespmem:s2+$0xFFFFFFF0] =	vst v0  }
0x27: {  	[tilespmem:s2+$0xFFFFFFE0] =	vst v0  }
0x28: {  	[tilespmem:s2+$0xFFFFFFD0] =	vst v0  }
0x29: {  	[spmem:s8] =	stream.linear.scatter [tilespmem:s23], [sflag:$0x3], $0x2800, $0x38;
	[tilespmem:$0x1DF00] =	vst v63  }
0x2a: {  	_ =	swait.ge [sflag:s24], $0x2800  }
0x2b: {  	[sflag:s24] =	ssyncset.done $0x0  }
0x2c: {  	[sflag:s24] =	ssyncadd.s32 $0xFFFFD800  }
0x2d: {  	[spmem:s9] =	stream.linear.scatter [tilespmem:s23], [sflag:$0x3], $0x2800, $0x38;
	[tilespmem:$0x1DF00] =	vst v63  }
0x2e: {  	_ =	swait.ge [sflag:s24], $0x2800  }
0x2f: {  	[sflag:s24] =	ssyncset.done $0x0  }
0x30: {  	[sflag:s24] =	ssyncadd.s32 $0xFFFFD800  }
0x31: {  	[spmem:s10] =	stream.linear.scatter [tilespmem:s23], [sflag:$0x3], $0x2800, $0x38;
	[tilespmem:$0x1DF00] =	vst v63  }
0x32: {  	_ =	swait.ge [sflag:s24], $0x2800  }
0x33: {  	[sflag:s24] =	ssyncset.done $0x0  }
0x34: {  	[sflag:s24] =	ssyncadd.s32 $0xFFFFD800  }
0x35: {  	[spmem:s11] =	stream.linear.scatter [tilespmem:s23], [sflag:$0x3], $0x2800, $0x38;
	[tilespmem:$0x1DF00] =	vst v63  }
0x36: {  	_ =	swait.ge [sflag:s24], $0x2800  }
0x37: {  	[sflag:s24] =	ssyncset.done $0x0  }
0x38: {  	[sflag:s24] =	ssyncadd.s32 $0xFFFFD800  }
0x39: {  	[spmem:s12] =	stream.linear.scatter [tilespmem:s23], [sflag:$0x3], $0x2800, $0x38;
	[tilespmem:$0x1DF00] =	vst v63  }
0x3a: {  	_ =	swait.ge [sflag:s24], $0x2800  }
0x3b: {  	[sflag:s24] =	ssyncset.done $0x0  }
0x3c: {  	[sflag:s24] =	ssyncadd.s32 $0xFFFFD800  }
0x3d: {  	[spmem:s13] =	stream.linear.scatter [tilespmem:s23], [sflag:$0x3], $0x2800, $0x38;
	[tilespmem:$0x1DF00] =	vst v63  }
0x3e: {  	_ =	swait.ge [sflag:s24], $0x2800  }
0x3f: {  	[sflag:s24] =	ssyncset.done $0x0  }
0x40: {  	[sflag:s24] =	ssyncadd.s32 $0xFFFFD800  }
0x41: {  	[spmem:s14] =	stream.linear.scatter [tilespmem:s23], [sflag:$0x3], $0x2800, $0x38;
	[tilespmem:$0x1DF00] =	vst v63  }
0x42: {  	_ =	swait.ge [sflag:s24], $0x2800  }
0x43: {  	[sflag:s24] =	ssyncset.done $0x0  }
0x44: {  	[sflag:s24] =	ssyncadd.s32 $0xFFFFD800  }
0x45: {  	[spmem:s15] =	stream.linear.scatter [tilespmem:s23], [sflag:$0x3], $0x2800, $0x38;
	[tilespmem:$0x1DF00] =	vst v63  }
0x46: {  	_ =	swait.ge [sflag:s24], $0x2800  }
0x47: {  	[sflag:s24] =	ssyncset.done $0x0  }
0x48: {  	[sflag:s24] =	ssyncadd.s32 $0xFFFFD800  }
0x49: {  	_ =	swait.ge [sflag:s25], $0x2780  }
0x4a: {  	[sflag:s25] =	ssyncset.done $0x0  }
0x4b: {  	[sflag:s25] =	ssyncadd.s32 $0xFFFFD880  }
0x4c: {  	_ =	swait.ge [sflag:s26], $0x2780  }
0x4d: {  	[sflag:s26] =	ssyncset.done $0x0  }
0x4e: {  	[sflag:s26] =	ssyncadd.s32 $0xFFFFD880  }
0x4f: {  	s1 =	sadd.s32 $0x0, s5;
	[bflag:$0x0] =	sbarrier.arrive $0xFFFF  }
0x50: {  	[tilespmem:s23], [sflag:$0x1] =	stream.indirect.gather [hbm4b:s0+s28], $0x80, s5, s28, $0xb8;
	[tilespmem:$0x1DF00] =	vst v63  }
0x51: {  	s4 =	sadd.s32 $0x50, s1  }
0x52: {  	[tilespmem:s29], [sflag:$0x2] =	stream.indirect.gather [hbm4b:s0+s28], $0x80, s4, s28, $0xb8;
	[tilespmem:$0x1DF00] =	vst v63  }
0x53: {  	_ =	swait.ge [sflag:s25], $0x2800  }
0x54: {  	[sflag:s25] =	ssyncset.done $0x0  }
0x55: {  	s7 =	sadd.s32 $0x0, s16;
	[sflag:s25] =	ssyncadd.s32 $0xFFFFD800  }
0x56: {  	[spmem:s3] =	stream.indirect.scatter.add.f32 [tilespmem:s23], [sflag:$0x3], $0x80, s7, s28, $0xb8;
	[tilespmem:$0x1DF00] =	vst v63  }
0x57: {  	_ =	swait.ge [sflag:s24], $0x2800  }
0x58: {  	[sflag:s24] =	ssyncset.done $0x0  }
0x59: {  	s2 =	sadd.s32 $0xA0, s1;
	[sflag:s24] =	ssyncadd.s32 $0xFFFFD800  }
0x5a: {  	[tilespmem:s23], [sflag:$0x1] =	stream.indirect.gather [hbm4b:s0+s28], $0x80, s2, s28, $0xb8;
	[tilespmem:$0x1DF00] =	vst v63  }
0x5b: {  	_ =	swait.ge [sflag:s26], $0x2800  }
0x5c: {  	[sflag:s26] =	ssyncset.done $0x0  }
0x5d: {  	s22 =	sadd.s32 $0x50, s7;
	[sflag:s26] =	ssyncadd.s32 $0xFFFFD800  }
0x5e: {  	[spmem:s3] =	stream.indirect.scatter.add.f32 [tilespmem:s29], [sflag:$0x3], $0x80, s22, s28, $0xb8;
	[tilespmem:$0x1DF00] =	vst v63  }
0x5f: {  	s31 =	sadd.s32 $0xA0, s5;
	_ =	swait.ge [sflag:s24], $0x2800  }
0x60: {  	s4 =	simm.s32 $0x500;
	s2 =	simm.s32 $0xA0;
	[sflag:s24] =	ssyncset.done $0x0  }
.LBB2_4:
0x61: {  	s1 =	sadd.s32 $0x50, s31  }
0x62: {  	[sflag:s24] =	ssyncadd.s32 $0xFFFFD800;
	s22 =	smov.u32 s4;
	s7 =	sadd.s32 $0x280, s4  }
0x63: {  	[tilespmem:s29], [sflag:$0x2] =	stream.indirect.gather [hbm4b:s0+s28], $0x80, s1, s28, $0xb8;
	[tilespmem:$0x1DF00] =	vst v63  }
0x64: {  	p0 =	sne.s32 s4, $0x9880;
	_ =	swait.ge [sflag:s25], $0x2800  }
0x65: {  	[sflag:s25] =	ssyncset.done $0x0  }
0x66: {  	s1 =	sadd.s32 s2, s16;
	[sflag:s25] =	ssyncadd.s32 $0xFFFFD800  }
0x67: {  	[spmem:s3] =	stream.indirect.scatter.add.f32 [tilespmem:s23], [sflag:$0x3], $0x80, s1, s28, $0xb8;
	[tilespmem:$0x1DF00] =	vst v63  }
0x68: {  	_ =	swait.ge [sflag:s24], $0x2800  }
0x69: {  	[sflag:s24] =	ssyncset.done $0x0  }
0x6a: {  	s2 =	sadd.s32 $0xA0, s31;
	[sflag:s24] =	ssyncadd.s32 $0xFFFFD800  }
0x6b: {  	[tilespmem:s23], [sflag:$0x1] =	stream.indirect.gather [hbm4b:s0+s28], $0x80, s2, s28, $0xb8;
	[tilespmem:$0x1DF00] =	vst v63  }
0x6c: {  	_ =	swait.ge [sflag:s26], $0x2800  }
.Ltmp1:
0x6d: {  	[sflag:s26] =	ssyncset.done $0x0;
	(pc) =	sbr.rel @p0 .LBB2_4-.Ltmp1, $4  }
0x6e: {  	s1 =	sadd.s32 $0x50, s1;
	[sflag:s26] =	ssyncadd.s32 $0xFFFFD800  }
0x6f: {  	[spmem:s3] =	stream.indirect.scatter.add.f32 [tilespmem:s29], [sflag:$0x3], $0x80, s1, s28, $0xb8;
	[tilespmem:$0x1DF00] =	vst v63  }
0x70: {  	s2 =	sshra.s32 s22, $0x2;
	_ =	swait.ge [sflag:s24], $0x2800  }
0x71: {  	s4 =	smov.u32 s7;
	s31 =	sadd.s32 s2, s5;
	[sflag:s24] =	ssyncset.done $0x0  }
0x72: {  	s1 =	sadd.s32 $0x50, s31;
	[sflag:s24] =	ssyncadd.s32 $0xFFFFD800  }
0x73: {  	[tilespmem:s29], [sflag:$0x2] =	stream.indirect.gather [hbm4b:s0+s28], $0x80, s1, s28, $0xb8;
	[tilespmem:$0x1DF00] =	vst v63  }
0x74: {  	_ =	swait.ge [sflag:s25], $0x2800  }
0x75: {  	[sflag:s25] =	ssyncset.done $0x0  }
0x76: {  	s4 =	sadd.s32 s2, s16;
	[sflag:s25] =	ssyncadd.s32 $0xFFFFD800  }
0x77: {  	[spmem:s3] =	stream.indirect.scatter.add.f32 [tilespmem:s23], [sflag:$0x3], $0x80, s4, s28, $0xb8;
	[tilespmem:$0x1DF00] =	vst v63  }
0x78: {  	_ =	swait.ge [sflag:s24], $0x2800  }
0x79: {  	[sflag:s24] =	ssyncset.done $0x0  }
0x7a: {  	s7 =	sadd.s32 $0xA0, s31;
	[sflag:s24] =	ssyncadd.s32 $0xFFFFD800  }
0x7b: {  	[tilespmem:s23], [sflag:$0x1] =	stream.indirect.gather [hbm4b:s0+s28], $0x80, s7, s28, $0xb8;
	[tilespmem:$0x1DF00] =	vst v63  }
0x7c: {  	_ =	swait.ge [sflag:s26], $0x2800  }
0x7d: {  	[sflag:s26] =	ssyncset.done $0x0  }
0x7e: {  	s1 =	sadd.s32 $0x50, s4;
	[sflag:s26] =	ssyncadd.s32 $0xFFFFD800  }
0x7f: {  	[spmem:s3] =	stream.indirect.scatter.add.f32 [tilespmem:s29], [sflag:$0x3], $0x80, s1, s28, $0xb8;
	[tilespmem:$0x1DF00] =	vst v63  }
0x80: {  	_ =	swait.ge [sflag:s24], $0x2800  }
0x81: {  	[sflag:s24] =	ssyncset.done $0x0  }
0x82: {  	[sflag:s24] =	ssyncadd.s32 $0xFFFFD800  }
0x83: {  	_ =	swait.ge [sflag:s25], $0x2800  }
0x84: {  	[sflag:s25] =	ssyncset.done $0x0  }
0x85: {  	[sflag:s25] =	ssyncadd.s32 $0xFFFFD800  }
0x86: {  	[spmem:s3] =	stream.indirect.scatter.add.f32 [tilespmem:s23], [sflag:$0x3], $0x80, s17, s28, $0xb8;
	[tilespmem:$0x1DF00] =	vst v63  }
0x87: {  	s22 =	stileid.u32;
	_ =	swait.ge [sflag:s24], $0x2800  }
0x88: {  	s31 =	sshrl.u32 s8, $0x3;
	s30 =	sadd.s32 $0x1, s30;
	[sflag:s24] =	ssyncset.done $0x0  }
0x89: {  	p0 =	sne.s32 s30, s19;
	s1 =	sshll.u32 s22, $0x6;
	[sflag:s24] =	ssyncadd.s32 $0xFFFFD800  }
.Ltmp2:
0x8a: {  	s1 =	sor.u32 $0x1C03, s1;
	[bflag:$0x0] =	sbarrier.arrive $0xFFFF;
	(pc) =	sbr.rel @p0 .LBB2_1-.Ltmp2, $4  }
0x8b: {  	[hbm:s18], [sflag:s1] =	dma.local [spmem:s31], $0x2800  }
0x8c: {  	_ =	swait.ge [sflag:s24], $0x2800  }
0x8d: {  	[sflag:s24] =	ssyncset.done $0x0  }
0x8e: {  	[sflag:s24] =	ssyncadd.s32 $0xFFFFD800  }
0x8f: {  	_ =	sfence.sel $0x180000  }
0x90: {  	[bflag:$0x0] =	sbarrier.arrive $0xFFFF  }
0x91: {  	_ =	strace $0x90000047  }
0x92: {  	s0 =	stileid.u32;
	[bflag:$0x2] =	sbarrier.arrive $0xFFFF  }
0x93: {  	p0 =	sne.s32 s0, $0x0;
	s0 =	rddreg [dreg:$0x4]  }
0x94: {  	s0 =	sadd.s32 @!p0 $0x100000, s0  }
0x95: {  	[sflag:s0] =	ssyncadd.tile.s32 @!p0 $0x1;
	_ =	shalt  }
.Lfunc_end2:
_tile_overlayer_lowered:
.L_overlay_start_2:
0x96: {  	(tag) =	ssettag $0x2  }
0x97: {  	s0 =	rddreg [dreg:$0x0];
	s2 =	stileid.u32  }
0x98: {  	s1 =	rddreg [dreg:$0x1];
	p0 =	sne.s32 s2, $0x0  }
0x99: {  	s3 =	rddreg [dreg:$0x2];
	[bflag:$0x3] =	sbarrier.arrive $0xFFFF;
	s2 =	simm.s32 @!p0 $0x1C03  }
0x9a: {  	[timem:s3], [sflag:s2] =	dma.local @!p0 [hbm:s0], s1  }
0x9b: {  	s0 =	simm.s32 @!p0 $0x3  }
0x9c: {  	_ =	swait.ge @!p0 [sflag:s0], s1  }
0x9d: {  	s1 =	ssub.s32 @!p0 $0x0, s1;
	[sflag:s0] =	ssyncset.done @!p0 $0x0  }
0x9e: {  	[sflag:s0] =	ssyncadd.s32 @!p0 s1  }
0x9f: {  	[bflag:$0x3] =	sbarrier.arrive $0xFFFF  }
0xa0: {  	_ =	shalt  }

</sc_bundles>
